<compile_context>
chip_gen: v7x
topology: tpu7x:2x2x1
jax: 0.10.2.dev20260603
libtpu: 0.0.44.dev20260713+nightly
codegen_flags: <defaults>
</compile_context>

<pallas_src>
import jax
import jax.numpy as jnp
from jax import lax
from jax.experimental import pallas as pl
from jax.experimental.pallas import tpu as pltpu
from jax.experimental.pallas import tpu_sc as plsc

D = 768
B = 1024
SEQ = 77
CA = 16
REST = SEQ - CA - 1
NTOK = 1 + REST
L = 16
TKR = 64

_info = plsc.get_sparse_core_info()
_NC, _NS = _info.num_cores, _info.num_subcores
NW = _NC * _NS
NB = B // NW
REP = 32
NSLOT = 3


def _body(tokt_hbm, emb_hbm, ca_hbm, out_hbm,
          tki, rep, g0, g1, g2, sg0, sg1, sg2, sr):
    wid = lax.axis_index("s") * _NC + lax.axis_index("c")
    base = pl.multiple_of(wid * NB, NB)
    gcol = pl.multiple_of((wid // 4) * 128, 128)
    col0 = pl.multiple_of((wid % 4) * NB, NB)
    pltpu.sync_copy(tokt_hbm.at[pl.ds(0, TKR), pl.ds(gcol, 128)], tki)

    bufs = ((g0, sg0), (g1, sg1), (g2, sg2))

    def start(k, gbuf, sg):
        iv0 = tki[k, pl.ds(col0, L)]
        iv1 = tki[k, pl.ds(col0 + L, L)]
        pltpu.async_copy(emb_hbm.at[iv0], gbuf.at[pl.ds(0, L)], sg)
        pltpu.async_copy(emb_hbm.at[iv1], gbuf.at[pl.ds(L, L)], sg)

    for s in range(NSLOT):
        start(s, *bufs[s])

    i = wid % CA
    half = wid // CA
    civ = jnp.full((L,), i, dtype=jnp.int32)
    for j in range(REP // L):
        pltpu.async_copy(ca_hbm.at[civ], rep.at[pl.ds(j * L, L)], sr)
    pltpu.make_async_copy(ca_hbm.at[pl.ds(0, REP)], rep, sr).wait()
    cbase = pl.multiple_of(half * (B // 2), B // 2)
    for j in range(B // 2 // REP):
        pltpu.sync_copy(rep, out_hbm.at[i + 1, pl.ds(cbase + j * REP, REP)])

    def triple(p, carry):
        k = NSLOT * p
        for slot in range(NSLOT):
            kk = k + slot
            gbuf, sg = bufs[slot]
            pltpu.make_async_copy(emb_hbm.at[pl.ds(0, NB)], gbuf, sg).wait()
            s_out = jnp.where(kk == 0, 0, kk + CA)
            pltpu.sync_copy(gbuf, out_hbm.at[s_out, pl.ds(base, NB)])

            @pl.when(kk + NSLOT < NTOK)
            def _start_next():
                start(kk + NSLOT, gbuf, sg)

        return carry

    lax.fori_loop(0, REST // NSLOT, triple, 0)

    gbuf, sg = bufs[0]
    pltpu.make_async_copy(emb_hbm.at[pl.ds(0, NB)], gbuf, sg).wait()
    pltpu.sync_copy(gbuf, out_hbm.at[NTOK - 1 + CA, pl.ds(base, NB)])


def kernel(tokenized_text, dynamic_bools, token_embedding, ca_vectors, da_vectors):
    tokt = tokenized_text.astype(jnp.int32).T
    mesh = plsc.VectorSubcoreMesh(core_axis_name="c", subcore_axis_name="s")
    f = pl.kernel(
        _body,
        mesh=mesh,
        compiler_params=pltpu.CompilerParams(use_tc_tiling_on_sc=True),
        out_type=jax.ShapeDtypeStruct((SEQ, B, D), jnp.float32),
        scratch_types=[
            pltpu.VMEM((TKR, 128), jnp.int32),
            pltpu.VMEM((REP, D), jnp.float32),
            pltpu.VMEM((NB, D), jnp.float32),
            pltpu.VMEM((NB, D), jnp.float32),
            pltpu.VMEM((NB, D), jnp.float32),
            pltpu.SemaphoreType.DMA,
            pltpu.SemaphoreType.DMA,
            pltpu.SemaphoreType.DMA,
            pltpu.SemaphoreType.DMA,
        ],
    )
    out_t = f(tokt, token_embedding, ca_vectors)
    return jnp.transpose(out_t, (1, 0, 2))

# --- scband reference (transcript-rebuilt; emitter-appended) ---
"""Pipeline reference for scband-context-addition-27590869909899 (READ-ONLY COPY).

The authoritative reference and input builder live on the scoring server;
editing this copy changes nothing except your own understanding.
"""

import jax, jax.numpy as jnp
import numpy as np

VOCAB = 49408  # CLIP BPE vocab (eot token = 49407)
D = 768        # CLIP text embedding_dim
B = 1024
SEQ = 77       # CLIP context length
CA = 16        # ca_length


def setup_inputs(seed: int = 0) -> dict:
    key = jax.random.key(seed)
    k1, k2, k3, k4, k5 = jax.random.split(key, 5)
    tokenized_text = jax.random.randint(k1, (B, SEQ), 0, VOCAB, dtype=jnp.int64 if jax.config.jax_enable_x64 else jnp.int32)
    dynamic_bools = jax.random.randint(k2, (B,), 0, 2).astype(jnp.bool_)
    token_embedding = jax.random.normal(k3, (VOCAB, D), dtype=jnp.float32) * 0.02
    ca_vectors = jax.random.normal(k4, (CA, D), dtype=jnp.float32) * 0.02
    da_vectors = jax.random.normal(k5, (CA, D), dtype=jnp.float32) * 0.02
    return {
        "tokenized_text": tokenized_text,
        "dynamic_bools": dynamic_bools,
        "token_embedding": token_embedding,
        "ca_vectors": ca_vectors,
        "da_vectors": da_vectors,
    }


def reference(tokenized_text, dynamic_bools, token_embedding, ca_vectors, da_vectors):
    # x = self.token_embedding(tokenized_text)
    x = jnp.take(token_embedding, tokenized_text, axis=0)  # [B, 77, D] gather
    # target_partition == 'all' -> force all dynamic_bools True
    dyn = jnp.ones_like(dynamic_bools)
    # _insert_prefix_context
    batch_size = x.shape[0]
    context_block = jnp.broadcast_to(ca_vectors[None, :, :], (batch_size, CA, D))
    all_dynamic = jnp.concatenate(
        [x[:, :1, :], context_block, x[:, 1:SEQ - CA, :]], axis=1
    )
    dyn_r = dyn.reshape(-1, 1, 1)
    corrected = jnp.where(dyn_r, all_dynamic, x)
    return corrected

if __name__ == "__main__":
    import jax
    _d = setup_inputs()
    print(jax.jit(kernel)(*tuple(_d.values())))

</pallas_src>

<mosaic_0001>
#map = affine_map<(d0, d1) -> (0, 0)>
#map1 = affine_map<(d0, d1) -> (0, 0, 0)>
module attributes {stable_mosaic.version = 14 : i64} {
  func.func @_body(%arg0: i32, %arg1: i32, %arg2: memref<77x1024xi32, #tpu.memory_space<hbm>>, %arg3: memref<49408x768xf32, #tpu.memory_space<hbm>>, %arg4: memref<16x768xf32, #tpu.memory_space<hbm>>, %arg5: memref<77x1024x768xf32, #tpu.memory_space<hbm>>, %arg6: memref<64x128xi32, #tpu.memory_space<vmem>>, %arg7: memref<32x768xf32, #tpu.memory_space<vmem>>, %arg8: memref<32x768xf32, #tpu.memory_space<vmem>>, %arg9: memref<32x768xf32, #tpu.memory_space<vmem>>, %arg10: memref<32x768xf32, #tpu.memory_space<vmem>>, %arg11: memref<!tpu.dma_semaphore, #tpu.memory_space<semaphore_mem>>, %arg12: memref<!tpu.dma_semaphore, #tpu.memory_space<semaphore_mem>>, %arg13: memref<!tpu.dma_semaphore, #tpu.memory_space<semaphore_mem>>, %arg14: memref<!tpu.dma_semaphore, #tpu.memory_space<semaphore_mem>>) attributes {dimension_semantics = [#tpu.dimension_semantics<core_parallel>, #tpu.dimension_semantics<subcore_parallel>], iteration_bounds = array<i64: 2, 16>, scalar_prefetch = 0 : i64, scratch_operands = 9 : i64, tpu.core_type = #tpu.core_type<sc_vector_subcore>, window_params = [{transform_indices = #map}, {transform_indices = #map}, {transform_indices = #map}, {transform_indices = #map1}]} {
    %mul3A = arith.constant 2 : i32
    %mul3A_0 = arith.muli %arg1, %mul3A : i32
    %add3A = arith.addi %mul3A_0, %arg0 : i32
    %mul3A_1 = arith.constant 32 : i32
    %mul3A_2 = arith.muli %add3A, %mul3A_1 : i32
    %multiple_of3A = tpu.assume_multiple %mul3A_2, 32 : i32
    %jit3A = arith.constant 4 : i32
    %div3A = arith.divsi %add3A, %jit3A : i32
    %sign3A = arith.constant 0 : i32
    %sign3A_3 = arith.cmpi sgt, %add3A, %sign3A : i32
    %sign3A_4 = arith.extui %sign3A_3 : i1 to i32
    %sign3A_5 = arith.constant 0 : i32
    %sign3A_6 = arith.cmpi slt, %add3A, %sign3A_5 : i32
    %sign3A_7 = arith.extui %sign3A_6 : i1 to i32
    %sign3A_8 = arith.subi %sign3A_4, %sign3A_7 : i32
    %sign3A_9 = arith.constant 0 : i32
    %sign3A_10 = arith.cmpi sgt, %jit3A, %sign3A_9 : i32
    %sign3A_11 = arith.extui %sign3A_10 : i1 to i32
    %sign3A_12 = arith.constant 0 : i32
    %sign3A_13 = arith.cmpi slt, %jit3A, %sign3A_12 : i32
    %sign3A_14 = arith.extui %sign3A_13 : i1 to i32
    %sign3A_15 = arith.subi %sign3A_11, %sign3A_14 : i32
    %ne3A = arith.cmpi ne, %sign3A_8, %sign3A_15 : i32
    %rem3A = arith.remsi %add3A, %jit3A : i32
    %ne3A_16 = arith.constant 0 : i32
    %ne3A_17 = arith.cmpi ne, %rem3A, %ne3A_16 : i32
    %and3A = arith.andi %ne3A, %ne3A_17 : i1
    %sub3A = arith.constant 1 : i32
    %sub3A_18 = arith.subi %div3A, %sub3A : i32
    %select_n3A = arith.select %and3A, %sub3A_18, %div3A : i32
    %mul3A_19 = arith.constant 128 : i32
    %mul3A_20 = arith.muli %select_n3A, %mul3A_19 : i32
    %multiple_of3A_21 = tpu.assume_multiple %mul3A_20, 128 : i32
    %jit3A_22 = arith.constant 4 : i32
    %eq3A = arith.constant 0 : i32
    %eq3A_23 = arith.cmpi eq, %jit3A_22, %eq3A : i32
    %jit3A_24 = arith.constant 1 : i32
    %select_n3A_25 = arith.select %eq3A_23, %jit3A_24, %jit3A_22 : i32
    %rem3A_26 = arith.remsi %add3A, %select_n3A_25 : i32
    %ne3A_27 = arith.constant 0 : i32
    %ne3A_28 = arith.cmpi ne, %rem3A_26, %ne3A_27 : i32
    %lt3A = arith.constant 0 : i32
    %lt3A_29 = arith.cmpi slt, %rem3A_26, %lt3A : i32
    %lt3A_30 = arith.constant 0 : i32
    %lt3A_31 = arith.cmpi slt, %select_n3A_25, %lt3A_30 : i32
    %ne3A_32 = arith.xori %lt3A_29, %lt3A_31 : i1
    %and3A_33 = arith.andi %ne3A_32, %ne3A_28 : i1
    %add3A_34 = arith.addi %rem3A_26, %select_n3A_25 : i32
    %select_n3A_35 = arith.select %and3A_33, %add3A_34, %rem3A_26 : i32
    %mul3A_36 = arith.constant 32 : i32
    %mul3A_37 = arith.muli %select_n3A_35, %mul3A_36 : i32
    %multiple_of3A_38 = tpu.assume_multiple %mul3A_37, 32 : i32
    "tpu.region"() ({
      %run_scoped3A_244 = tpu.sem_alloc : memref<!tpu.dma_semaphore, #tpu.memory_space<semaphore_mem>>
      %dma_start3A_245 = arith.constant 0 : i32
      %dma_start3A_246 = tpu.memref_slice %arg2[%dma_start3A_245, %multiple_of3A_21] : memref<77x1024xi32, #tpu.memory_space<hbm>> -> memref<64x128xi32, #tpu.memory_space<hbm>>
      %dma_start3A_247 = arith.constant 0 : i32
      %dma_start3A_248 = tpu.memref_slice %arg2[%dma_start3A_247, %multiple_of3A_21] : memref<77x1024xi32, #tpu.memory_space<hbm>> -> memref<64x128xi32, #tpu.memory_space<hbm>>
      tpu.enqueue_dma source(%dma_start3A_248 : memref<64x128xi32, #tpu.memory_space<hbm>>) target(%arg6 : memref<64x128xi32, #tpu.memory_space<vmem>>) target_semaphore(%run_scoped3A_244 : memref<!tpu.dma_semaphore, #tpu.memory_space<semaphore_mem>>)
      %dma_wait3A_249 = arith.constant 0 : i32
      %dma_wait3A_250 = tpu.memref_slice %arg2[%dma_wait3A_249, %multiple_of3A_21] : memref<77x1024xi32, #tpu.memory_space<hbm>> -> memref<64x128xi32, #tpu.memory_space<hbm>>
      %dma_wait3A_251 = arith.constant 0 : i32
      %dma_wait3A_252 = tpu.memref_slice %arg2[%dma_wait3A_251, %multiple_of3A_21] : memref<77x1024xi32, #tpu.memory_space<hbm>> -> memref<64x128xi32, #tpu.memory_space<hbm>>
      tpu.wait_dma2 semaphore(%run_scoped3A_244 : memref<!tpu.dma_semaphore, #tpu.memory_space<semaphore_mem>>) src(%dma_wait3A_252 : memref<64x128xi32, #tpu.memory_space<hbm>>) dst(%arg6 : memref<64x128xi32, #tpu.memory_space<vmem>>)
      tpu.yield
    }) : () -> ()
    %get3A = arith.constant 0 : i32
    %get3A_39 = arith.index_cast %get3A : i32 to index
    %get3A_40 = arith.index_cast %multiple_of3A_38 : i32 to index
    %get3A_41 = tpu.vector_load %arg6[%get3A_39, %get3A_40] {strides = array<i32>} : memref<64x128xi32, #tpu.memory_space<vmem>>, vector<1x16xi32>,
    %get3A_42 = vector.shape_cast %get3A_41 : vector<1x16xi32> to vector<16xi32>
    %add3A_43 = arith.constant 16 : i32
    %add3A_44 = arith.addi %multiple_of3A_38, %add3A_43 : i32
    %get3A_45 = arith.constant 0 : i32
    %get3A_46 = arith.index_cast %get3A_45 : i32 to index
    %get3A_47 = arith.index_cast %add3A_44 : i32 to index
    %get3A_48 = tpu.vector_load %arg6[%get3A_46, %get3A_47] {strides = array<i32>} : memref<64x128xi32, #tpu.memory_space<vmem>>, vector<1x16xi32>,
    %get3A_49 = vector.shape_cast %get3A_48 : vector<1x16xi32> to vector<16xi32>
    %dma_start3A = arith.constant 0 : i32
    %dma_start3A_50 = arith.constant 0 : i32
    %dma_start3A_51 = tpu.memref_slice %arg8[%dma_start3A, %dma_start3A_50] : memref<32x768xf32, #tpu.memory_space<vmem>> -> memref<16x768xf32, #tpu.memory_space<vmem>>
    %dma_start3A_52 = arith.constant 0 : i32
    %dma_start3A_53 = arith.constant 0 : i32
    %dma_start3A_54 = tpu.memref_slice %arg3[%dma_start3A_52, %dma_start3A_53] : memref<49408x768xf32, #tpu.memory_space<hbm>> -> memref<49408x768xf32, #tpu.memory_space<hbm>>
    tpu.enqueue_indirect_dma source(%dma_start3A_54 : memref<49408x768xf32, #tpu.memory_space<hbm>>) target(%dma_start3A_51 : memref<16x768xf32, #tpu.memory_space<vmem>>) offsets(%get3A_42 : vector<16xi32>) semaphore(%arg11 : memref<!tpu.dma_semaphore, #tpu.memory_space<semaphore_mem>>)
    %dma_start3A_55 = arith.constant 16 : i32
    %dma_start3A_56 = arith.constant 0 : i32
    %dma_start3A_57 = tpu.memref_slice %arg8[%dma_start3A_55, %dma_start3A_56] : memref<32x768xf32, #tpu.memory_space<vmem>> -> memref<16x768xf32, #tpu.memory_space<vmem>>
    %dma_start3A_58 = arith.constant 0 : i32
    %dma_start3A_59 = arith.constant 0 : i32
    %dma_start3A_60 = tpu.memref_slice %arg3[%dma_start3A_58, %dma_start3A_59] : memref<49408x768xf32, #tpu.memory_space<hbm>> -> memref<49408x768xf32, #tpu.memory_space<hbm>>
    tpu.enqueue_indirect_dma source(%dma_start3A_60 : memref<49408x768xf32, #tpu.memory_space<hbm>>) target(%dma_start3A_57 : memref<16x768xf32, #tpu.memory_space<vmem>>) offsets(%get3A_49 : vector<16xi32>) semaphore(%arg11 : memref<!tpu.dma_semaphore, #tpu.memory_space<semaphore_mem>>)
    %get3A_61 = arith.constant 1 : i32
    %get3A_62 = arith.index_cast %get3A_61 : i32 to index
    %get3A_63 = arith.index_cast %multiple_of3A_38 : i32 to index
    %get3A_64 = tpu.vector_load %arg6[%get3A_62, %get3A_63] {strides = array<i32>} : memref<64x128xi32, #tpu.memory_space<vmem>>, vector<1x16xi32>,
    %get3A_65 = vector.shape_cast %get3A_64 : vector<1x16xi32> to vector<16xi32>
    %add3A_66 = arith.constant 16 : i32
    %add3A_67 = arith.addi %multiple_of3A_38, %add3A_66 : i32
    %get3A_68 = arith.constant 1 : i32
    %get3A_69 = arith.index_cast %get3A_68 : i32 to index
    %get3A_70 = arith.index_cast %add3A_67 : i32 to index
    %get3A_71 = tpu.vector_load %arg6[%get3A_69, %get3A_70] {strides = array<i32>} : memref<64x128xi32, #tpu.memory_space<vmem>>, vector<1x16xi32>,
    %get3A_72 = vector.shape_cast %get3A_71 : vector<1x16xi32> to vector<16xi32>
    %dma_start3A_73 = arith.constant 0 : i32
    %dma_start3A_74 = arith.constant 0 : i32
    %dma_start3A_75 = tpu.memref_slice %arg9[%dma_start3A_73, %dma_start3A_74] : memref<32x768xf32, #tpu.memory_space<vmem>> -> memref<16x768xf32, #tpu.memory_space<vmem>>
    %dma_start3A_76 = arith.constant 0 : i32
    %dma_start3A_77 = arith.constant 0 : i32
    %dma_start3A_78 = tpu.memref_slice %arg3[%dma_start3A_76, %dma_start3A_77] : memref<49408x768xf32, #tpu.memory_space<hbm>> -> memref<49408x768xf32, #tpu.memory_space<hbm>>
    tpu.enqueue_indirect_dma source(%dma_start3A_78 : memref<49408x768xf32, #tpu.memory_space<hbm>>) target(%dma_start3A_75 : memref<16x768xf32, #tpu.memory_space<vmem>>) offsets(%get3A_65 : vector<16xi32>) semaphore(%arg12 : memref<!tpu.dma_semaphore, #tpu.memory_space<semaphore_mem>>)
    %dma_start3A_79 = arith.constant 16 : i32
    %dma_start3A_80 = arith.constant 0 : i32
    %dma_start3A_81 = tpu.memref_slice %arg9[%dma_start3A_79, %dma_start3A_80] : memref<32x768xf32, #tpu.memory_space<vmem>> -> memref<16x768xf32, #tpu.memory_space<vmem>>
    %dma_start3A_82 = arith.constant 0 : i32
    %dma_start3A_83 = arith.constant 0 : i32
    %dma_start3A_84 = tpu.memref_slice %arg3[%dma_start3A_82, %dma_start3A_83] : memref<49408x768xf32, #tpu.memory_space<hbm>> -> memref<49408x768xf32, #tpu.memory_space<hbm>>
    tpu.enqueue_indirect_dma source(%dma_start3A_84 : memref<49408x768xf32, #tpu.memory_space<hbm>>) target(%dma_start3A_81 : memref<16x768xf32, #tpu.memory_space<vmem>>) offsets(%get3A_72 : vector<16xi32>) semaphore(%arg12 : memref<!tpu.dma_semaphore, #tpu.memory_space<semaphore_mem>>)
    %get3A_85 = arith.constant 2 : i32
    %get3A_86 = arith.index_cast %get3A_85 : i32 to index
    %get3A_87 = arith.index_cast %multiple_of3A_38 : i32 to index
    %get3A_88 = tpu.vector_load %arg6[%get3A_86, %get3A_87] {strides = array<i32>} : memref<64x128xi32, #tpu.memory_space<vmem>>, vector<1x16xi32>,
    %get3A_89 = vector.shape_cast %get3A_88 : vector<1x16xi32> to vector<16xi32>
    %add3A_90 = arith.constant 16 : i32
    %add3A_91 = arith.addi %multiple_of3A_38, %add3A_90 : i32
    %get3A_92 = arith.constant 2 : i32
    %get3A_93 = arith.index_cast %get3A_92 : i32 to index
    %get3A_94 = arith.index_cast %add3A_91 : i32 to index
    %get3A_95 = tpu.vector_load %arg6[%get3A_93, %get3A_94] {strides = array<i32>} : memref<64x128xi32, #tpu.memory_space<vmem>>, vector<1x16xi32>,
    %get3A_96 = vector.shape_cast %get3A_95 : vector<1x16xi32> to vector<16xi32>
    %dma_start3A_97 = arith.constant 0 : i32
    %dma_start3A_98 = arith.constant 0 : i32
    %dma_start3A_99 = tpu.memref_slice %arg10[%dma_start3A_97, %dma_start3A_98] : memref<32x768xf32, #tpu.memory_space<vmem>> -> memref<16x768xf32, #tpu.memory_space<vmem>>
    %dma_start3A_100 = arith.constant 0 : i32
    %dma_start3A_101 = arith.constant 0 : i32
    %dma_start3A_102 = tpu.memref_slice %arg3[%dma_start3A_100, %dma_start3A_101] : memref<49408x768xf32, #tpu.memory_space<hbm>> -> memref<49408x768xf32, #tpu.memory_space<hbm>>
    tpu.enqueue_indirect_dma source(%dma_start3A_102 : memref<49408x768xf32, #tpu.memory_space<hbm>>) target(%dma_start3A_99 : memref<16x768xf32, #tpu.memory_space<vmem>>) offsets(%get3A_89 : vector<16xi32>) semaphore(%arg13 : memref<!tpu.dma_semaphore, #tpu.memory_space<semaphore_mem>>)
    %dma_start3A_103 = arith.constant 16 : i32
    %dma_start3A_104 = arith.constant 0 : i32
    %dma_start3A_105 = tpu.memref_slice %arg10[%dma_start3A_103, %dma_start3A_104] : memref<32x768xf32, #tpu.memory_space<vmem>> -> memref<16x768xf32, #tpu.memory_space<vmem>>
    %dma_start3A_106 = arith.constant 0 : i32
    %dma_start3A_107 = arith.constant 0 : i32
    %dma_start3A_108 = tpu.memref_slice %arg3[%dma_start3A_106, %dma_start3A_107] : memref<49408x768xf32, #tpu.memory_space<hbm>> -> memref<49408x768xf32, #tpu.memory_space<hbm>>
    tpu.enqueue_indirect_dma source(%dma_start3A_108 : memref<49408x768xf32, #tpu.memory_space<hbm>>) target(%dma_start3A_105 : memref<16x768xf32, #tpu.memory_space<vmem>>) offsets(%get3A_96 : vector<16xi32>) semaphore(%arg13 : memref<!tpu.dma_semaphore, #tpu.memory_space<semaphore_mem>>)
    %jit3A_109 = arith.constant 16 : i32
    %eq3A_110 = arith.constant 0 : i32
    %eq3A_111 = arith.cmpi eq, %jit3A_109, %eq3A_110 : i32
    %jit3A_112 = arith.constant 1 : i32
    %select_n3A_113 = arith.select %eq3A_111, %jit3A_112, %jit3A_109 : i32
    %rem3A_114 = arith.remsi %add3A, %select_n3A_113 : i32
    %ne3A_115 = arith.constant 0 : i32
    %ne3A_116 = arith.cmpi ne, %rem3A_114, %ne3A_115 : i32
    %lt3A_117 = arith.constant 0 : i32
    %lt3A_118 = arith.cmpi slt, %rem3A_114, %lt3A_117 : i32
    %lt3A_119 = arith.constant 0 : i32
    %lt3A_120 = arith.cmpi slt, %select_n3A_113, %lt3A_119 : i32
    %ne3A_121 = arith.xori %lt3A_118, %lt3A_120 : i1
    %and3A_122 = arith.andi %ne3A_121, %ne3A_116 : i1
    %add3A_123 = arith.addi %rem3A_114, %select_n3A_113 : i32
    %select_n3A_124 = arith.select %and3A_122, %add3A_123, %rem3A_114 : i32
    %jit3A_125 = arith.constant 16 : i32
    %div3A_126 = arith.divsi %add3A, %jit3A_125 : i32
    %sign3A_127 = arith.constant 0 : i32
    %sign3A_128 = arith.cmpi sgt, %add3A, %sign3A_127 : i32
    %sign3A_129 = arith.extui %sign3A_128 : i1 to i32
    %sign3A_130 = arith.constant 0 : i32
    %sign3A_131 = arith.cmpi slt, %add3A, %sign3A_130 : i32
    %sign3A_132 = arith.extui %sign3A_131 : i1 to i32
    %sign3A_133 = arith.subi %sign3A_129, %sign3A_132 : i32
    %sign3A_134 = arith.constant 0 : i32
    %sign3A_135 = arith.cmpi sgt, %jit3A_125, %sign3A_134 : i32
    %sign3A_136 = arith.extui %sign3A_135 : i1 to i32
    %sign3A_137 = arith.constant 0 : i32
    %sign3A_138 = arith.cmpi slt, %jit3A_125, %sign3A_137 : i32
    %sign3A_139 = arith.extui %sign3A_138 : i1 to i32
    %sign3A_140 = arith.subi %sign3A_136, %sign3A_139 : i32
    %ne3A_141 = arith.cmpi ne, %sign3A_133, %sign3A_140 : i32
    %rem3A_142 = arith.remsi %add3A, %jit3A_125 : i32
    %ne3A_143 = arith.constant 0 : i32
    %ne3A_144 = arith.cmpi ne, %rem3A_142, %ne3A_143 : i32
    %and3A_145 = arith.andi %ne3A_141, %ne3A_144 : i1
    %sub3A_146 = arith.constant 1 : i32
    %sub3A_147 = arith.subi %div3A_126, %sub3A_146 : i32
    %select_n3A_148 = arith.select %and3A_145, %sub3A_147, %div3A_126 : i32
    %broadcast_in_dim3A = vector.broadcast %select_n3A_124 : i32 to vector<16xi32>
    %dma_start3A_149 = arith.constant 0 : i32
    %dma_start3A_150 = arith.constant 0 : i32
    %dma_start3A_151 = tpu.memref_slice %arg7[%dma_start3A_149, %dma_start3A_150] : memref<32x768xf32, #tpu.memory_space<vmem>> -> memref<16x768xf32, #tpu.memory_space<vmem>>
    %dma_start3A_152 = arith.constant 0 : i32
    %dma_start3A_153 = arith.constant 0 : i32
    %dma_start3A_154 = tpu.memref_slice %arg4[%dma_start3A_152, %dma_start3A_153] : memref<16x768xf32, #tpu.memory_space<hbm>> -> memref<16x768xf32, #tpu.memory_space<hbm>>
    tpu.enqueue_indirect_dma source(%dma_start3A_154 : memref<16x768xf32, #tpu.memory_space<hbm>>) target(%dma_start3A_151 : memref<16x768xf32, #tpu.memory_space<vmem>>) offsets(%broadcast_in_dim3A : vector<16xi32>) semaphore(%arg14 : memref<!tpu.dma_semaphore, #tpu.memory_space<semaphore_mem>>)
    %dma_start3A_155 = arith.constant 16 : i32
    %dma_start3A_156 = arith.constant 0 : i32
    %dma_start3A_157 = tpu.memref_slice %arg7[%dma_start3A_155, %dma_start3A_156] : memref<32x768xf32, #tpu.memory_space<vmem>> -> memref<16x768xf32, #tpu.memory_space<vmem>>
    %dma_start3A_158 = arith.constant 0 : i32
    %dma_start3A_159 = arith.constant 0 : i32
    %dma_start3A_160 = tpu.memref_slice %arg4[%dma_start3A_158, %dma_start3A_159] : memref<16x768xf32, #tpu.memory_space<hbm>> -> memref<16x768xf32, #tpu.memory_space<hbm>>
    tpu.enqueue_indirect_dma source(%dma_start3A_160 : memref<16x768xf32, #tpu.memory_space<hbm>>) target(%dma_start3A_157 : memref<16x768xf32, #tpu.memory_space<vmem>>) offsets(%broadcast_in_dim3A : vector<16xi32>) semaphore(%arg14 : memref<!tpu.dma_semaphore, #tpu.memory_space<semaphore_mem>>)
    %dma_wait3A = arith.constant 0 : i32
    %dma_wait3A_161 = arith.constant 0 : i32
    %dma_wait3A_162 = tpu.memref_slice %arg4[%dma_wait3A, %dma_wait3A_161] : memref<16x768xf32, #tpu.memory_space<hbm>> -> memref<32x768xf32, #tpu.memory_space<hbm>>
    %dma_wait3A_163 = arith.constant 0 : i32
    %dma_wait3A_164 = arith.constant 0 : i32
    %dma_wait3A_165 = tpu.memref_slice %arg4[%dma_wait3A_163, %dma_wait3A_164] : memref<16x768xf32, #tpu.memory_space<hbm>> -> memref<32x768xf32, #tpu.memory_space<hbm>>
    tpu.wait_dma2 semaphore(%arg14 : memref<!tpu.dma_semaphore, #tpu.memory_space<semaphore_mem>>) src(%dma_wait3A_165 : memref<32x768xf32, #tpu.memory_space<hbm>>) dst(%arg7 : memref<32x768xf32, #tpu.memory_space<vmem>>)
    %mul3A_166 = arith.constant 512 : i32
    %mul3A_167 = arith.muli %select_n3A_148, %mul3A_166 : i32
    %multiple_of3A_168 = tpu.assume_multiple %mul3A_167, 512 : i32
    %add3A_169 = arith.constant 1 : i32
    %add3A_170 = arith.addi %select_n3A_124, %add3A_169 : i32
    %add3A_171 = arith.constant 0 : i32
    %add3A_172 = arith.addi %multiple_of3A_168, %add3A_171 : i32
    "tpu.region"() ({
      %run_scoped3A_244 = tpu.sem_alloc : memref<!tpu.dma_semaphore, #tpu.memory_space<semaphore_mem>>
      %dma_start3A_245 = arith.constant 0 : i32
      %dma_start3A_246 = tpu.memref_slice %arg5[%add3A_170, %add3A_172, %dma_start3A_245] : memref<77x1024x768xf32, #tpu.memory_space<hbm>> -> memref<1x32x768xf32, #tpu.memory_space<hbm>>
      %dma_start3A_247 = tpu.memref_squeeze %dma_start3A_246 : memref<1x32x768xf32, #tpu.memory_space<hbm>> -> memref<32x768xf32, #tpu.memory_space<hbm>>
      %dma_start3A_248 = arith.constant 0 : i32
      %dma_start3A_249 = tpu.memref_slice %arg5[%add3A_170, %add3A_172, %dma_start3A_248] : memref<77x1024x768xf32, #tpu.memory_space<hbm>> -> memref<1x32x768xf32, #tpu.memory_space<hbm>>
      %dma_start3A_250 = tpu.memref_squeeze %dma_start3A_249 : memref<1x32x768xf32, #tpu.memory_space<hbm>> -> memref<32x768xf32, #tpu.memory_space<hbm>>
      tpu.enqueue_dma source(%arg7 : memref<32x768xf32, #tpu.memory_space<vmem>>) target(%dma_start3A_250 : memref<32x768xf32, #tpu.memory_space<hbm>>) target_semaphore(%run_scoped3A_244 : memref<!tpu.dma_semaphore, #tpu.memory_space<semaphore_mem>>)
      %dma_wait3A_251 = arith.constant 0 : i32
      %dma_wait3A_252 = tpu.memref_slice %arg5[%add3A_170, %add3A_172, %dma_wait3A_251] : memref<77x1024x768xf32, #tpu.memory_space<hbm>> -> memref<1x32x768xf32, #tpu.memory_space<hbm>>
      %dma_wait3A_253 = tpu.memref_squeeze %dma_wait3A_252 : memref<1x32x768xf32, #tpu.memory_space<hbm>> -> memref<32x768xf32, #tpu.memory_space<hbm>>
      %dma_wait3A_254 = arith.constant 0 : i32
      %dma_wait3A_255 = tpu.memref_slice %arg5[%add3A_170, %add3A_172, %dma_wait3A_254] : memref<77x1024x768xf32, #tpu.memory_space<hbm>> -> memref<1x32x768xf32, #tpu.memory_space<hbm>>
      %dma_wait3A_256 = tpu.memref_squeeze %dma_wait3A_255 : memref<1x32x768xf32, #tpu.memory_space<hbm>> -> memref<32x768xf32, #tpu.memory_space<hbm>>
      tpu.wait_dma2 semaphore(%run_scoped3A_244 : memref<!tpu.dma_semaphore, #tpu.memory_space<semaphore_mem>>) src(%arg7 : memref<32x768xf32, #tpu.memory_space<vmem>>) dst(%dma_wait3A_256 : memref<32x768xf32, #tpu.memory_space<hbm>>)
      tpu.yield
    }) : () -> ()
    %add3A_173 = arith.constant 1 : i32
    %add3A_174 = arith.addi %select_n3A_124, %add3A_173 : i32
    %add3A_175 = arith.constant 32 : i32
    %add3A_176 = arith.addi %multiple_of3A_168, %add3A_175 : i32
    "tpu.region"() ({
      %run_scoped3A_244 = tpu.sem_alloc : memref<!tpu.dma_semaphore, #tpu.memory_space<semaphore_mem>>
      %dma_start3A_245 = arith.constant 0 : i32
      %dma_start3A_246 = tpu.memref_slice %arg5[%add3A_174, %add3A_176, %dma_start3A_245] : memref<77x1024x768xf32, #tpu.memory_space<hbm>> -> memref<1x32x768xf32, #tpu.memory_space<hbm>>
      %dma_start3A_247 = tpu.memref_squeeze %dma_start3A_246 : memref<1x32x768xf32, #tpu.memory_space<hbm>> -> memref<32x768xf32, #tpu.memory_space<hbm>>
      %dma_start3A_248 = arith.constant 0 : i32
      %dma_start3A_249 = tpu.memref_slice %arg5[%add3A_174, %add3A_176, %dma_start3A_248] : memref<77x1024x768xf32, #tpu.memory_space<hbm>> -> memref<1x32x768xf32, #tpu.memory_space<hbm>>
      %dma_start3A_250 = tpu.memref_squeeze %dma_start3A_249 : memref<1x32x768xf32, #tpu.memory_space<hbm>> -> memref<32x768xf32, #tpu.memory_space<hbm>>
      tpu.enqueue_dma source(%arg7 : memref<32x768xf32, #tpu.memory_space<vmem>>) target(%dma_start3A_250 : memref<32x768xf32, #tpu.memory_space<hbm>>) target_semaphore(%run_scoped3A_244 : memref<!tpu.dma_semaphore, #tpu.memory_space<semaphore_mem>>)
      %dma_wait3A_251 = arith.constant 0 : i32
      %dma_wait3A_252 = tpu.memref_slice %arg5[%add3A_174, %add3A_176, %dma_wait3A_251] : memref<77x1024x768xf32, #tpu.memory_space<hbm>> -> memref<1x32x768xf32, #tpu.memory_space<hbm>>
      %dma_wait3A_253 = tpu.memref_squeeze %dma_wait3A_252 : memref<1x32x768xf32, #tpu.memory_space<hbm>> -> memref<32x768xf32, #tpu.memory_space<hbm>>
      %dma_wait3A_254 = arith.constant 0 : i32
      %dma_wait3A_255 = tpu.memref_slice %arg5[%add3A_174, %add3A_176, %dma_wait3A_254] : memref<77x1024x768xf32, #tpu.memory_space<hbm>> -> memref<1x32x768xf32, #tpu.memory_space<hbm>>
      %dma_wait3A_256 = tpu.memref_squeeze %dma_wait3A_255 : memref<1x32x768xf32, #tpu.memory_space<hbm>> -> memref<32x768xf32, #tpu.memory_space<hbm>>
      tpu.wait_dma2 semaphore(%run_scoped3A_244 : memref<!tpu.dma_semaphore, #tpu.memory_space<semaphore_mem>>) src(%arg7 : memref<32x768xf32, #tpu.memory_space<vmem>>) dst(%dma_wait3A_256 : memref<32x768xf32, #tpu.memory_space<hbm>>)
      tpu.yield
    }) : () -> ()
    %add3A_177 = arith.constant 1 : i32
    %add3A_178 = arith.addi %select_n3A_124, %add3A_177 : i32
    %add3A_179 = arith.constant 64 : i32
    %add3A_180 = arith.addi %multiple_of3A_168, %add3A_179 : i32
    "tpu.region"() ({
      %run_scoped3A_244 = tpu.sem_alloc : memref<!tpu.dma_semaphore, #tpu.memory_space<semaphore_mem>>
      %dma_start3A_245 = arith.constant 0 : i32
      %dma_start3A_246 = tpu.memref_slice %arg5[%add3A_178, %add3A_180, %dma_start3A_245] : memref<77x1024x768xf32, #tpu.memory_space<hbm>> -> memref<1x32x768xf32, #tpu.memory_space<hbm>>
      %dma_start3A_247 = tpu.memref_squeeze %dma_start3A_246 : memref<1x32x768xf32, #tpu.memory_space<hbm>> -> memref<32x768xf32, #tpu.memory_space<hbm>>
      %dma_start3A_248 = arith.constant 0 : i32
      %dma_start3A_249 = tpu.memref_slice %arg5[%add3A_178, %add3A_180, %dma_start3A_248] : memref<77x1024x768xf32, #tpu.memory_space<hbm>> -> memref<1x32x768xf32, #tpu.memory_space<hbm>>
      %dma_start3A_250 = tpu.memref_squeeze %dma_start3A_249 : memref<1x32x768xf32, #tpu.memory_space<hbm>> -> memref<32x768xf32, #tpu.memory_space<hbm>>
      tpu.enqueue_dma source(%arg7 : memref<32x768xf32, #tpu.memory_space<vmem>>) target(%dma_start3A_250 : memref<32x768xf32, #tpu.memory_space<hbm>>) target_semaphore(%run_scoped3A_244 : memref<!tpu.dma_semaphore, #tpu.memory_space<semaphore_mem>>)
      %dma_wait3A_251 = arith.constant 0 : i32
      %dma_wait3A_252 = tpu.memref_slice %arg5[%add3A_178, %add3A_180, %dma_wait3A_251] : memref<77x1024x768xf32, #tpu.memory_space<hbm>> -> memref<1x32x768xf32, #tpu.memory_space<hbm>>
      %dma_wait3A_253 = tpu.memref_squeeze %dma_wait3A_252 : memref<1x32x768xf32, #tpu.memory_space<hbm>> -> memref<32x768xf32, #tpu.memory_space<hbm>>
      %dma_wait3A_254 = arith.constant 0 : i32
      %dma_wait3A_255 = tpu.memref_slice %arg5[%add3A_178, %add3A_180, %dma_wait3A_254] : memref<77x1024x768xf32, #tpu.memory_space<hbm>> -> memref<1x32x768xf32, #tpu.memory_space<hbm>>
      %dma_wait3A_256 = tpu.memref_squeeze %dma_wait3A_255 : memref<1x32x768xf32, #tpu.memory_space<hbm>> -> memref<32x768xf32, #tpu.memory_space<hbm>>
      tpu.wait_dma2 semaphore(%run_scoped3A_244 : memref<!tpu.dma_semaphore, #tpu.memory_space<semaphore_mem>>) src(%arg7 : memref<32x768xf32, #tpu.memory_space<vmem>>) dst(%dma_wait3A_256 : memref<32x768xf32, #tpu.memory_space<hbm>>)
      tpu.yield
    }) : () -> ()
    %add3A_181 = arith.constant 1 : i32
    %add3A_182 = arith.addi %select_n3A_124, %add3A_181 : i32
    %add3A_183 = arith.constant 96 : i32
    %add3A_184 = arith.addi %multiple_of3A_168, %add3A_183 : i32
    "tpu.region"() ({
      %run_scoped3A_244 = tpu.sem_alloc : memref<!tpu.dma_semaphore, #tpu.memory_space<semaphore_mem>>
      %dma_start3A_245 = arith.constant 0 : i32
      %dma_start3A_246 = tpu.memref_slice %arg5[%add3A_182, %add3A_184, %dma_start3A_245] : memref<77x1024x768xf32, #tpu.memory_space<hbm>> -> memref<1x32x768xf32, #tpu.memory_space<hbm>>
      %dma_start3A_247 = tpu.memref_squeeze %dma_start3A_246 : memref<1x32x768xf32, #tpu.memory_space<hbm>> -> memref<32x768xf32, #tpu.memory_space<hbm>>
      %dma_start3A_248 = arith.constant 0 : i32
      %dma_start3A_249 = tpu.memref_slice %arg5[%add3A_182, %add3A_184, %dma_start3A_248] : memref<77x1024x768xf32, #tpu.memory_space<hbm>> -> memref<1x32x768xf32, #tpu.memory_space<hbm>>
      %dma_start3A_250 = tpu.memref_squeeze %dma_start3A_249 : memref<1x32x768xf32, #tpu.memory_space<hbm>> -> memref<32x768xf32, #tpu.memory_space<hbm>>
      tpu.enqueue_dma source(%arg7 : memref<32x768xf32, #tpu.memory_space<vmem>>) target(%dma_start3A_250 : memref<32x768xf32, #tpu.memory_space<hbm>>) target_semaphore(%run_scoped3A_244 : memref<!tpu.dma_semaphore, #tpu.memory_space<semaphore_mem>>)
      %dma_wait3A_251 = arith.constant 0 : i32
      %dma_wait3A_252 = tpu.memref_slice %arg5[%add3A_182, %add3A_184, %dma_wait3A_251] : memref<77x1024x768xf32, #tpu.memory_space<hbm>> -> memref<1x32x768xf32, #tpu.memory_space<hbm>>
      %dma_wait3A_253 = tpu.memref_squeeze %dma_wait3A_252 : memref<1x32x768xf32, #tpu.memory_space<hbm>> -> memref<32x768xf32, #tpu.memory_space<hbm>>
      %dma_wait3A_254 = arith.constant 0 : i32
      %dma_wait3A_255 = tpu.memref_slice %arg5[%add3A_182, %add3A_184, %dma_wait3A_254] : memref<77x1024x768xf32, #tpu.memory_space<hbm>> -> memref<1x32x768xf32, #tpu.memory_space<hbm>>
      %dma_wait3A_256 = tpu.memref_squeeze %dma_wait3A_255 : memref<1x32x768xf32, #tpu.memory_space<hbm>> -> memref<32x768xf32, #tpu.memory_space<hbm>>
      tpu.wait_dma2 semaphore(%run_scoped3A_244 : memref<!tpu.dma_semaphore, #tpu.memory_space<semaphore_mem>>) src(%arg7 : memref<32x768xf32, #tpu.memory_space<vmem>>) dst(%dma_wait3A_256 : memref<32x768xf32, #tpu.memory_space<hbm>>)
      tpu.yield
    }) : () -> ()
    %add3A_185 = arith.constant 1 : i32
    %add3A_186 = arith.addi %select_n3A_124, %add3A_185 : i32
    %add3A_187 = arith.constant 128 : i32
    %add3A_188 = arith.addi %multiple_of3A_168, %add3A_187 : i32
    "tpu.region"() ({
      %run_scoped3A_244 = tpu.sem_alloc : memref<!tpu.dma_semaphore, #tpu.memory_space<semaphore_mem>>
      %dma_start3A_245 = arith.constant 0 : i32
      %dma_start3A_246 = tpu.memref_slice %arg5[%add3A_186, %add3A_188, %dma_start3A_245] : memref<77x1024x768xf32, #tpu.memory_space<hbm>> -> memref<1x32x768xf32, #tpu.memory_space<hbm>>
      %dma_start3A_247 = tpu.memref_squeeze %dma_start3A_246 : memref<1x32x768xf32, #tpu.memory_space<hbm>> -> memref<32x768xf32, #tpu.memory_space<hbm>>
      %dma_start3A_248 = arith.constant 0 : i32
      %dma_start3A_249 = tpu.memref_slice %arg5[%add3A_186, %add3A_188, %dma_start3A_248] : memref<77x1024x768xf32, #tpu.memory_space<hbm>> -> memref<1x32x768xf32, #tpu.memory_space<hbm>>
      %dma_start3A_250 = tpu.memref_squeeze %dma_start3A_249 : memref<1x32x768xf32, #tpu.memory_space<hbm>> -> memref<32x768xf32, #tpu.memory_space<hbm>>
      tpu.enqueue_dma source(%arg7 : memref<32x768xf32, #tpu.memory_space<vmem>>) target(%dma_start3A_250 : memref<32x768xf32, #tpu.memory_space<hbm>>) target_semaphore(%run_scoped3A_244 : memref<!tpu.dma_semaphore, #tpu.memory_space<semaphore_mem>>)
      %dma_wait3A_251 = arith.constant 0 : i32
      %dma_wait3A_252 = tpu.memref_slice %arg5[%add3A_186, %add3A_188, %dma_wait3A_251] : memref<77x1024x768xf32, #tpu.memory_space<hbm>> -> memref<1x32x768xf32, #tpu.memory_space<hbm>>
      %dma_wait3A_253 = tpu.memref_squeeze %dma_wait3A_252 : memref<1x32x768xf32, #tpu.memory_space<hbm>> -> memref<32x768xf32, #tpu.memory_space<hbm>>
      %dma_wait3A_254 = arith.constant 0 : i32
      %dma_wait3A_255 = tpu.memref_slice %arg5[%add3A_186, %add3A_188, %dma_wait3A_254] : memref<77x1024x768xf32, #tpu.memory_space<hbm>> -> memref<1x32x768xf32, #tpu.memory_space<hbm>>
      %dma_wait3A_256 = tpu.memref_squeeze %dma_wait3A_255 : memref<1x32x768xf32, #tpu.memory_space<hbm>> -> memref<32x768xf32, #tpu.memory_space<hbm>>
      tpu.wait_dma2 semaphore(%run_scoped3A_244 : memref<!tpu.dma_semaphore, #tpu.memory_space<semaphore_mem>>) src(%arg7 : memref<32x768xf32, #tpu.memory_space<vmem>>) dst(%dma_wait3A_256 : memref<32x768xf32, #tpu.memory_space<hbm>>)
      tpu.yield
    }) : () -> ()
    %add3A_189 = arith.constant 1 : i32
    %add3A_190 = arith.addi %select_n3A_124, %add3A_189 : i32
    %add3A_191 = arith.constant 160 : i32
    %add3A_192 = arith.addi %multiple_of3A_168, %add3A_191 : i32
    "tpu.region"() ({
      %run_scoped3A_244 = tpu.sem_alloc : memref<!tpu.dma_semaphore, #tpu.memory_space<semaphore_mem>>
      %dma_start3A_245 = arith.constant 0 : i32
      %dma_start3A_246 = tpu.memref_slice %arg5[%add3A_190, %add3A_192, %dma_start3A_245] : memref<77x1024x768xf32, #tpu.memory_space<hbm>> -> memref<1x32x768xf32, #tpu.memory_space<hbm>>
      %dma_start3A_247 = tpu.memref_squeeze %dma_start3A_246 : memref<1x32x768xf32, #tpu.memory_space<hbm>> -> memref<32x768xf32, #tpu.memory_space<hbm>>
      %dma_start3A_248 = arith.constant 0 : i32
      %dma_start3A_249 = tpu.memref_slice %arg5[%add3A_190, %add3A_192, %dma_start3A_248] : memref<77x1024x768xf32, #tpu.memory_space<hbm>> -> memref<1x32x768xf32, #tpu.memory_space<hbm>>
      %dma_start3A_250 = tpu.memref_squeeze %dma_start3A_249 : memref<1x32x768xf32, #tpu.memory_space<hbm>> -> memref<32x768xf32, #tpu.memory_space<hbm>>
      tpu.enqueue_dma source(%arg7 : memref<32x768xf32, #tpu.memory_space<vmem>>) target(%dma_start3A_250 : memref<32x768xf32, #tpu.memory_space<hbm>>) target_semaphore(%run_scoped3A_244 : memref<!tpu.dma_semaphore, #tpu.memory_space<semaphore_mem>>)
      %dma_wait3A_251 = arith.constant 0 : i32
      %dma_wait3A_252 = tpu.memref_slice %arg5[%add3A_190, %add3A_192, %dma_wait3A_251] : memref<77x1024x768xf32, #tpu.memory_space<hbm>> -> memref<1x32x768xf32, #tpu.memory_space<hbm>>
      %dma_wait3A_253 = tpu.memref_squeeze %dma_wait3A_252 : memref<1x32x768xf32, #tpu.memory_space<hbm>> -> memref<32x768xf32, #tpu.memory_space<hbm>>
      %dma_wait3A_254 = arith.constant 0 : i32
      %dma_wait3A_255 = tpu.memref_slice %arg5[%add3A_190, %add3A_192, %dma_wait3A_254] : memref<77x1024x768xf32, #tpu.memory_space<hbm>> -> memref<1x32x768xf32, #tpu.memory_space<hbm>>
      %dma_wait3A_256 = tpu.memref_squeeze %dma_wait3A_255 : memref<1x32x768xf32, #tpu.memory_space<hbm>> -> memref<32x768xf32, #tpu.memory_space<hbm>>
      tpu.wait_dma2 semaphore(%run_scoped3A_244 : memref<!tpu.dma_semaphore, #tpu.memory_space<semaphore_mem>>) src(%arg7 : memref<32x768xf32, #tpu.memory_space<vmem>>) dst(%dma_wait3A_256 : memref<32x768xf32, #tpu.memory_space<hbm>>)
      tpu.yield
    }) : () -> ()
    %add3A_193 = arith.constant 1 : i32
    %add3A_194 = arith.addi %select_n3A_124, %add3A_193 : i32
    %add3A_195 = arith.constant 192 : i32
    %add3A_196 = arith.addi %multiple_of3A_168, %add3A_195 : i32
    "tpu.region"() ({
      %run_scoped3A_244 = tpu.sem_alloc : memref<!tpu.dma_semaphore, #tpu.memory_space<semaphore_mem>>
      %dma_start3A_245 = arith.constant 0 : i32
      %dma_start3A_246 = tpu.memref_slice %arg5[%add3A_194, %add3A_196, %dma_start3A_245] : memref<77x1024x768xf32, #tpu.memory_space<hbm>> -> memref<1x32x768xf32, #tpu.memory_space<hbm>>
      %dma_start3A_247 = tpu.memref_squeeze %dma_start3A_246 : memref<1x32x768xf32, #tpu.memory_space<hbm>> -> memref<32x768xf32, #tpu.memory_space<hbm>>
      %dma_start3A_248 = arith.constant 0 : i32
      %dma_start3A_249 = tpu.memref_slice %arg5[%add3A_194, %add3A_196, %dma_start3A_248] : memref<77x1024x768xf32, #tpu.memory_space<hbm>> -> memref<1x32x768xf32, #tpu.memory_space<hbm>>
      %dma_start3A_250 = tpu.memref_squeeze %dma_start3A_249 : memref<1x32x768xf32, #tpu.memory_space<hbm>> -> memref<32x768xf32, #tpu.memory_space<hbm>>
      tpu.enqueue_dma source(%arg7 : memref<32x768xf32, #tpu.memory_space<vmem>>) target(%dma_start3A_250 : memref<32x768xf32, #tpu.memory_space<hbm>>) target_semaphore(%run_scoped3A_244 : memref<!tpu.dma_semaphore, #tpu.memory_space<semaphore_mem>>)
      %dma_wait3A_251 = arith.constant 0 : i32
      %dma_wait3A_252 = tpu.memref_slice %arg5[%add3A_194, %add3A_196, %dma_wait3A_251] : memref<77x1024x768xf32, #tpu.memory_space<hbm>> -> memref<1x32x768xf32, #tpu.memory_space<hbm>>
      %dma_wait3A_253 = tpu.memref_squeeze %dma_wait3A_252 : memref<1x32x768xf32, #tpu.memory_space<hbm>> -> memref<32x768xf32, #tpu.memory_space<hbm>>
      %dma_wait3A_254 = arith.constant 0 : i32
      %dma_wait3A_255 = tpu.memref_slice %arg5[%add3A_194, %add3A_196, %dma_wait3A_254] : memref<77x1024x768xf32, #tpu.memory_space<hbm>> -> memref<1x32x768xf32, #tpu.memory_space<hbm>>
      %dma_wait3A_256 = tpu.memref_squeeze %dma_wait3A_255 : memref<1x32x768xf32, #tpu.memory_space<hbm>> -> memref<32x768xf32, #tpu.memory_space<hbm>>
      tpu.wait_dma2 semaphore(%run_scoped3A_244 : memref<!tpu.dma_semaphore, #tpu.memory_space<semaphore_mem>>) src(%arg7 : memref<32x768xf32, #tpu.memory_space<vmem>>) dst(%dma_wait3A_256 : memref<32x768xf32, #tpu.memory_space<hbm>>)
      tpu.yield
    }) : () -> ()
    %add3A_197 = arith.constant 1 : i32
    %add3A_198 = arith.addi %select_n3A_124, %add3A_197 : i32
    %add3A_199 = arith.constant 224 : i32
    %add3A_200 = arith.addi %multiple_of3A_168, %add3A_199 : i32
    "tpu.region"() ({
      %run_scoped3A_244 = tpu.sem_alloc : memref<!tpu.dma_semaphore, #tpu.memory_space<semaphore_mem>>
      %dma_start3A_245 = arith.constant 0 : i32
      %dma_start3A_246 = tpu.memref_slice %arg5[%add3A_198, %add3A_200, %dma_start3A_245] : memref<77x1024x768xf32, #tpu.memory_space<hbm>> -> memref<1x32x768xf32, #tpu.memory_space<hbm>>
      %dma_start3A_247 = tpu.memref_squeeze %dma_start3A_246 : memref<1x32x768xf32, #tpu.memory_space<hbm>> -> memref<32x768xf32, #tpu.memory_space<hbm>>
      %dma_start3A_248 = arith.constant 0 : i32
      %dma_start3A_249 = tpu.memref_slice %arg5[%add3A_198, %add3A_200, %dma_start3A_248] : memref<77x1024x768xf32, #tpu.memory_space<hbm>> -> memref<1x32x768xf32, #tpu.memory_space<hbm>>
      %dma_start3A_250 = tpu.memref_squeeze %dma_start3A_249 : memref<1x32x768xf32, #tpu.memory_space<hbm>> -> memref<32x768xf32, #tpu.memory_space<hbm>>
      tpu.enqueue_dma source(%arg7 : memref<32x768xf32, #tpu.memory_space<vmem>>) target(%dma_start3A_250 : memref<32x768xf32, #tpu.memory_space<hbm>>) target_semaphore(%run_scoped3A_244 : memref<!tpu.dma_semaphore, #tpu.memory_space<semaphore_mem>>)
      %dma_wait3A_251 = arith.constant 0 : i32
      %dma_wait3A_252 = tpu.memref_slice %arg5[%add3A_198, %add3A_200, %dma_wait3A_251] : memref<77x1024x768xf32, #tpu.memory_space<hbm>> -> memref<1x32x768xf32, #tpu.memory_space<hbm>>
      %dma_wait3A_253 = tpu.memref_squeeze %dma_wait3A_252 : memref<1x32x768xf32, #tpu.memory_space<hbm>> -> memref<32x768xf32, #tpu.memory_space<hbm>>
      %dma_wait3A_254 = arith.constant 0 : i32
      %dma_wait3A_255 = tpu.memref_slice %arg5[%add3A_198, %add3A_200, %dma_wait3A_254] : memref<77x1024x768xf32, #tpu.memory_space<hbm>> -> memref<1x32x768xf32, #tpu.memory_space<hbm>>
      %dma_wait3A_256 = tpu.memref_squeeze %dma_wait3A_255 : memref<1x32x768xf32, #tpu.memory_space<hbm>> -> memref<32x768xf32, #tpu.memory_space<hbm>>
      tpu.wait_dma2 semaphore(%run_scoped3A_244 : memref<!tpu.dma_semaphore, #tpu.memory_space<semaphore_mem>>) src(%arg7 : memref<32x768xf32, #tpu.memory_space<vmem>>) dst(%dma_wait3A_256 : memref<32x768xf32, #tpu.memory_space<hbm>>)
      tpu.yield
    }) : () -> ()
    %add3A_201 = arith.constant 1 : i32
    %add3A_202 = arith.addi %select_n3A_124, %add3A_201 : i32
    %add3A_203 = arith.constant 256 : i32
    %add3A_204 = arith.addi %multiple_of3A_168, %add3A_203 : i32
    "tpu.region"() ({
      %run_scoped3A_244 = tpu.sem_alloc : memref<!tpu.dma_semaphore, #tpu.memory_space<semaphore_mem>>
      %dma_start3A_245 = arith.constant 0 : i32
      %dma_start3A_246 = tpu.memref_slice %arg5[%add3A_202, %add3A_204, %dma_start3A_245] : memref<77x1024x768xf32, #tpu.memory_space<hbm>> -> memref<1x32x768xf32, #tpu.memory_space<hbm>>
      %dma_start3A_247 = tpu.memref_squeeze %dma_start3A_246 : memref<1x32x768xf32, #tpu.memory_space<hbm>> -> memref<32x768xf32, #tpu.memory_space<hbm>>
      %dma_start3A_248 = arith.constant 0 : i32
      %dma_start3A_249 = tpu.memref_slice %arg5[%add3A_202, %add3A_204, %dma_start3A_248] : memref<77x1024x768xf32, #tpu.memory_space<hbm>> -> memref<1x32x768xf32, #tpu.memory_space<hbm>>
      %dma_start3A_250 = tpu.memref_squeeze %dma_start3A_249 : memref<1x32x768xf32, #tpu.memory_space<hbm>> -> memref<32x768xf32, #tpu.memory_space<hbm>>
      tpu.enqueue_dma source(%arg7 : memref<32x768xf32, #tpu.memory_space<vmem>>) target(%dma_start3A_250 : memref<32x768xf32, #tpu.memory_space<hbm>>) target_semaphore(%run_scoped3A_244 : memref<!tpu.dma_semaphore, #tpu.memory_space<semaphore_mem>>)
      %dma_wait3A_251 = arith.constant 0 : i32
      %dma_wait3A_252 = tpu.memref_slice %arg5[%add3A_202, %add3A_204, %dma_wait3A_251] : memref<77x1024x768xf32, #tpu.memory_space<hbm>> -> memref<1x32x768xf32, #tpu.memory_space<hbm>>
      %dma_wait3A_253 = tpu.memref_squeeze %dma_wait3A_252 : memref<1x32x768xf32, #tpu.memory_space<hbm>> -> memref<32x768xf32, #tpu.memory_space<hbm>>
      %dma_wait3A_254 = arith.constant 0 : i32
      %dma_wait3A_255 = tpu.memref_slice %arg5[%add3A_202, %add3A_204, %dma_wait3A_254] : memref<77x1024x768xf32, #tpu.memory_space<hbm>> -> memref<1x32x768xf32, #tpu.memory_space<hbm>>
      %dma_wait3A_256 = tpu.memref_squeeze %dma_wait3A_255 : memref<1x32x768xf32, #tpu.memory_space<hbm>> -> memref<32x768xf32, #tpu.memory_space<hbm>>
      tpu.wait_dma2 semaphore(%run_scoped3A_244 : memref<!tpu.dma_semaphore, #tpu.memory_space<semaphore_mem>>) src(%arg7 : memref<32x768xf32, #tpu.memory_space<vmem>>) dst(%dma_wait3A_256 : memref<32x768xf32, #tpu.memory_space<hbm>>)
      tpu.yield
    }) : () -> ()
    %add3A_205 = arith.constant 1 : i32
    %add3A_206 = arith.addi %select_n3A_124, %add3A_205 : i32
    %add3A_207 = arith.constant 288 : i32
    %add3A_208 = arith.addi %multiple_of3A_168, %add3A_207 : i32
    "tpu.region"() ({
      %run_scoped3A_244 = tpu.sem_alloc : memref<!tpu.dma_semaphore, #tpu.memory_space<semaphore_mem>>
      %dma_start3A_245 = arith.constant 0 : i32
      %dma_start3A_246 = tpu.memref_slice %arg5[%add3A_206, %add3A_208, %dma_start3A_245] : memref<77x1024x768xf32, #tpu.memory_space<hbm>> -> memref<1x32x768xf32, #tpu.memory_space<hbm>>
      %dma_start3A_247 = tpu.memref_squeeze %dma_start3A_246 : memref<1x32x768xf32, #tpu.memory_space<hbm>> -> memref<32x768xf32, #tpu.memory_space<hbm>>
      %dma_start3A_248 = arith.constant 0 : i32
      %dma_start3A_249 = tpu.memref_slice %arg5[%add3A_206, %add3A_208, %dma_start3A_248] : memref<77x1024x768xf32, #tpu.memory_space<hbm>> -> memref<1x32x768xf32, #tpu.memory_space<hbm>>
      %dma_start3A_250 = tpu.memref_squeeze %dma_start3A_249 : memref<1x32x768xf32, #tpu.memory_space<hbm>> -> memref<32x768xf32, #tpu.memory_space<hbm>>
      tpu.enqueue_dma source(%arg7 : memref<32x768xf32, #tpu.memory_space<vmem>>) target(%dma_start3A_250 : memref<32x768xf32, #tpu.memory_space<hbm>>) target_semaphore(%run_scoped3A_244 : memref<!tpu.dma_semaphore, #tpu.memory_space<semaphore_mem>>)
      %dma_wait3A_251 = arith.constant 0 : i32
      %dma_wait3A_252 = tpu.memref_slice %arg5[%add3A_206, %add3A_208, %dma_wait3A_251] : memref<77x1024x768xf32, #tpu.memory_space<hbm>> -> memref<1x32x768xf32, #tpu.memory_space<hbm>>
      %dma_wait3A_253 = tpu.memref_squeeze %dma_wait3A_252 : memref<1x32x768xf32, #tpu.memory_space<hbm>> -> memref<32x768xf32, #tpu.memory_space<hbm>>
      %dma_wait3A_254 = arith.constant 0 : i32
      %dma_wait3A_255 = tpu.memref_slice %arg5[%add3A_206, %add3A_208, %dma_wait3A_254] : memref<77x1024x768xf32, #tpu.memory_space<hbm>> -> memref<1x32x768xf32, #tpu.memory_space<hbm>>
      %dma_wait3A_256 = tpu.memref_squeeze %dma_wait3A_255 : memref<1x32x768xf32, #tpu.memory_space<hbm>> -> memref<32x768xf32, #tpu.memory_space<hbm>>
      tpu.wait_dma2 semaphore(%run_scoped3A_244 : memref<!tpu.dma_semaphore, #tpu.memory_space<semaphore_mem>>) src(%arg7 : memref<32x768xf32, #tpu.memory_space<vmem>>) dst(%dma_wait3A_256 : memref<32x768xf32, #tpu.memory_space<hbm>>)
      tpu.yield
    }) : () -> ()
    %add3A_209 = arith.constant 1 : i32
    %add3A_210 = arith.addi %select_n3A_124, %add3A_209 : i32
    %add3A_211 = arith.constant 320 : i32
    %add3A_212 = arith.addi %multiple_of3A_168, %add3A_211 : i32
    "tpu.region"() ({
      %run_scoped3A_244 = tpu.sem_alloc : memref<!tpu.dma_semaphore, #tpu.memory_space<semaphore_mem>>
      %dma_start3A_245 = arith.constant 0 : i32
      %dma_start3A_246 = tpu.memref_slice %arg5[%add3A_210, %add3A_212, %dma_start3A_245] : memref<77x1024x768xf32, #tpu.memory_space<hbm>> -> memref<1x32x768xf32, #tpu.memory_space<hbm>>
      %dma_start3A_247 = tpu.memref_squeeze %dma_start3A_246 : memref<1x32x768xf32, #tpu.memory_space<hbm>> -> memref<32x768xf32, #tpu.memory_space<hbm>>
      %dma_start3A_248 = arith.constant 0 : i32
      %dma_start3A_249 = tpu.memref_slice %arg5[%add3A_210, %add3A_212, %dma_start3A_248] : memref<77x1024x768xf32, #tpu.memory_space<hbm>> -> memref<1x32x768xf32, #tpu.memory_space<hbm>>
      %dma_start3A_250 = tpu.memref_squeeze %dma_start3A_249 : memref<1x32x768xf32, #tpu.memory_space<hbm>> -> memref<32x768xf32, #tpu.memory_space<hbm>>
      tpu.enqueue_dma source(%arg7 : memref<32x768xf32, #tpu.memory_space<vmem>>) target(%dma_start3A_250 : memref<32x768xf32, #tpu.memory_space<hbm>>) target_semaphore(%run_scoped3A_244 : memref<!tpu.dma_semaphore, #tpu.memory_space<semaphore_mem>>)
      %dma_wait3A_251 = arith.constant 0 : i32
      %dma_wait3A_252 = tpu.memref_slice %arg5[%add3A_210, %add3A_212, %dma_wait3A_251] : memref<77x1024x768xf32, #tpu.memory_space<hbm>> -> memref<1x32x768xf32, #tpu.memory_space<hbm>>
      %dma_wait3A_253 = tpu.memref_squeeze %dma_wait3A_252 : memref<1x32x768xf32, #tpu.memory_space<hbm>> -> memref<32x768xf32, #tpu.memory_space<hbm>>
      %dma_wait3A_254 = arith.constant 0 : i32
      %dma_wait3A_255 = tpu.memref_slice %arg5[%add3A_210, %add3A_212, %dma_wait3A_254] : memref<77x1024x768xf32, #tpu.memory_space<hbm>> -> memref<1x32x768xf32, #tpu.memory_space<hbm>>
      %dma_wait3A_256 = tpu.memref_squeeze %dma_wait3A_255 : memref<1x32x768xf32, #tpu.memory_space<hbm>> -> memref<32x768xf32, #tpu.memory_space<hbm>>
      tpu.wait_dma2 semaphore(%run_scoped3A_244 : memref<!tpu.dma_semaphore, #tpu.memory_space<semaphore_mem>>) src(%arg7 : memref<32x768xf32, #tpu.memory_space<vmem>>) dst(%dma_wait3A_256 : memref<32x768xf32, #tpu.memory_space<hbm>>)
      tpu.yield
    }) : () -> ()
    %add3A_213 = arith.constant 1 : i32
    %add3A_214 = arith.addi %select_n3A_124, %add3A_213 : i32
    %add3A_215 = arith.constant 352 : i32
    %add3A_216 = arith.addi %multiple_of3A_168, %add3A_215 : i32
    "tpu.region"() ({
      %run_scoped3A_244 = tpu.sem_alloc : memref<!tpu.dma_semaphore, #tpu.memory_space<semaphore_mem>>
      %dma_start3A_245 = arith.constant 0 : i32
      %dma_start3A_246 = tpu.memref_slice %arg5[%add3A_214, %add3A_216, %dma_start3A_245] : memref<77x1024x768xf32, #tpu.memory_space<hbm>> -> memref<1x32x768xf32, #tpu.memory_space<hbm>>
      %dma_start3A_247 = tpu.memref_squeeze %dma_start3A_246 : memref<1x32x768xf32, #tpu.memory_space<hbm>> -> memref<32x768xf32, #tpu.memory_space<hbm>>
      %dma_start3A_248 = arith.constant 0 : i32
      %dma_start3A_249 = tpu.memref_slice %arg5[%add3A_214, %add3A_216, %dma_start3A_248] : memref<77x1024x768xf32, #tpu.memory_space<hbm>> -> memref<1x32x768xf32, #tpu.memory_space<hbm>>
      %dma_start3A_250 = tpu.memref_squeeze %dma_start3A_249 : memref<1x32x768xf32, #tpu.memory_space<hbm>> -> memref<32x768xf32, #tpu.memory_space<hbm>>
      tpu.enqueue_dma source(%arg7 : memref<32x768xf32, #tpu.memory_space<vmem>>) target(%dma_start3A_250 : memref<32x768xf32, #tpu.memory_space<hbm>>) target_semaphore(%run_scoped3A_244 : memref<!tpu.dma_semaphore, #tpu.memory_space<semaphore_mem>>)
      %dma_wait3A_251 = arith.constant 0 : i32
      %dma_wait3A_252 = tpu.memref_slice %arg5[%add3A_214, %add3A_216, %dma_wait3A_251] : memref<77x1024x768xf32, #tpu.memory_space<hbm>> -> memref<1x32x768xf32, #tpu.memory_space<hbm>>
      %dma_wait3A_253 = tpu.memref_squeeze %dma_wait3A_252 : memref<1x32x768xf32, #tpu.memory_space<hbm>> -> memref<32x768xf32, #tpu.memory_space<hbm>>
      %dma_wait3A_254 = arith.constant 0 : i32
      %dma_wait3A_255 = tpu.memref_slice %arg5[%add3A_214, %add3A_216, %dma_wait3A_254] : memref<77x1024x768xf32, #tpu.memory_space<hbm>> -> memref<1x32x768xf32, #tpu.memory_space<hbm>>
      %dma_wait3A_256 = tpu.memref_squeeze %dma_wait3A_255 : memref<1x32x768xf32, #tpu.memory_space<hbm>> -> memref<32x768xf32, #tpu.memory_space<hbm>>
      tpu.wait_dma2 semaphore(%run_scoped3A_244 : memref<!tpu.dma_semaphore, #tpu.memory_space<semaphore_mem>>) src(%arg7 : memref<32x768xf32, #tpu.memory_space<vmem>>) dst(%dma_wait3A_256 : memref<32x768xf32, #tpu.memory_space<hbm>>)
      tpu.yield
    }) : () -> ()
    %add3A_217 = arith.constant 1 : i32
    %add3A_218 = arith.addi %select_n3A_124, %add3A_217 : i32
    %add3A_219 = arith.constant 384 : i32
    %add3A_220 = arith.addi %multiple_of3A_168, %add3A_219 : i32
    "tpu.region"() ({
      %run_scoped3A_244 = tpu.sem_alloc : memref<!tpu.dma_semaphore, #tpu.memory_space<semaphore_mem>>
      %dma_start3A_245 = arith.constant 0 : i32
      %dma_start3A_246 = tpu.memref_slice %arg5[%add3A_218, %add3A_220, %dma_start3A_245] : memref<77x1024x768xf32, #tpu.memory_space<hbm>> -> memref<1x32x768xf32, #tpu.memory_space<hbm>>
      %dma_start3A_247 = tpu.memref_squeeze %dma_start3A_246 : memref<1x32x768xf32, #tpu.memory_space<hbm>> -> memref<32x768xf32, #tpu.memory_space<hbm>>
      %dma_start3A_248 = arith.constant 0 : i32
      %dma_start3A_249 = tpu.memref_slice %arg5[%add3A_218, %add3A_220, %dma_start3A_248] : memref<77x1024x768xf32, #tpu.memory_space<hbm>> -> memref<1x32x768xf32, #tpu.memory_space<hbm>>
      %dma_start3A_250 = tpu.memref_squeeze %dma_start3A_249 : memref<1x32x768xf32, #tpu.memory_space<hbm>> -> memref<32x768xf32, #tpu.memory_space<hbm>>
      tpu.enqueue_dma source(%arg7 : memref<32x768xf32, #tpu.memory_space<vmem>>) target(%dma_start3A_250 : memref<32x768xf32, #tpu.memory_space<hbm>>) target_semaphore(%run_scoped3A_244 : memref<!tpu.dma_semaphore, #tpu.memory_space<semaphore_mem>>)
      %dma_wait3A_251 = arith.constant 0 : i32
      %dma_wait3A_252 = tpu.memref_slice %arg5[%add3A_218, %add3A_220, %dma_wait3A_251] : memref<77x1024x768xf32, #tpu.memory_space<hbm>> -> memref<1x32x768xf32, #tpu.memory_space<hbm>>
      %dma_wait3A_253 = tpu.memref_squeeze %dma_wait3A_252 : memref<1x32x768xf32, #tpu.memory_space<hbm>> -> memref<32x768xf32, #tpu.memory_space<hbm>>
      %dma_wait3A_254 = arith.constant 0 : i32
      %dma_wait3A_255 = tpu.memref_slice %arg5[%add3A_218, %add3A_220, %dma_wait3A_254] : memref<77x1024x768xf32, #tpu.memory_space<hbm>> -> memref<1x32x768xf32, #tpu.memory_space<hbm>>
      %dma_wait3A_256 = tpu.memref_squeeze %dma_wait3A_255 : memref<1x32x768xf32, #tpu.memory_space<hbm>> -> memref<32x768xf32, #tpu.memory_space<hbm>>
      tpu.wait_dma2 semaphore(%run_scoped3A_244 : memref<!tpu.dma_semaphore, #tpu.memory_space<semaphore_mem>>) src(%arg7 : memref<32x768xf32, #tpu.memory_space<vmem>>) dst(%dma_wait3A_256 : memref<32x768xf32, #tpu.memory_space<hbm>>)
      tpu.yield
    }) : () -> ()
    %add3A_221 = arith.constant 1 : i32
    %add3A_222 = arith.addi %select_n3A_124, %add3A_221 : i32
    %add3A_223 = arith.constant 416 : i32
    %add3A_224 = arith.addi %multiple_of3A_168, %add3A_223 : i32
    "tpu.region"() ({
      %run_scoped3A_244 = tpu.sem_alloc : memref<!tpu.dma_semaphore, #tpu.memory_space<semaphore_mem>>
      %dma_start3A_245 = arith.constant 0 : i32
      %dma_start3A_246 = tpu.memref_slice %arg5[%add3A_222, %add3A_224, %dma_start3A_245] : memref<77x1024x768xf32, #tpu.memory_space<hbm>> -> memref<1x32x768xf32, #tpu.memory_space<hbm>>
      %dma_start3A_247 = tpu.memref_squeeze %dma_start3A_246 : memref<1x32x768xf32, #tpu.memory_space<hbm>> -> memref<32x768xf32, #tpu.memory_space<hbm>>
      %dma_start3A_248 = arith.constant 0 : i32
      %dma_start3A_249 = tpu.memref_slice %arg5[%add3A_222, %add3A_224, %dma_start3A_248] : memref<77x1024x768xf32, #tpu.memory_space<hbm>> -> memref<1x32x768xf32, #tpu.memory_space<hbm>>
      %dma_start3A_250 = tpu.memref_squeeze %dma_start3A_249 : memref<1x32x768xf32, #tpu.memory_space<hbm>> -> memref<32x768xf32, #tpu.memory_space<hbm>>
      tpu.enqueue_dma source(%arg7 : memref<32x768xf32, #tpu.memory_space<vmem>>) target(%dma_start3A_250 : memref<32x768xf32, #tpu.memory_space<hbm>>) target_semaphore(%run_scoped3A_244 : memref<!tpu.dma_semaphore, #tpu.memory_space<semaphore_mem>>)
      %dma_wait3A_251 = arith.constant 0 : i32
      %dma_wait3A_252 = tpu.memref_slice %arg5[%add3A_222, %add3A_224, %dma_wait3A_251] : memref<77x1024x768xf32, #tpu.memory_space<hbm>> -> memref<1x32x768xf32, #tpu.memory_space<hbm>>
      %dma_wait3A_253 = tpu.memref_squeeze %dma_wait3A_252 : memref<1x32x768xf32, #tpu.memory_space<hbm>> -> memref<32x768xf32, #tpu.memory_space<hbm>>
      %dma_wait3A_254 = arith.constant 0 : i32
      %dma_wait3A_255 = tpu.memref_slice %arg5[%add3A_222, %add3A_224, %dma_wait3A_254] : memref<77x1024x768xf32, #tpu.memory_space<hbm>> -> memref<1x32x768xf32, #tpu.memory_space<hbm>>
      %dma_wait3A_256 = tpu.memref_squeeze %dma_wait3A_255 : memref<1x32x768xf32, #tpu.memory_space<hbm>> -> memref<32x768xf32, #tpu.memory_space<hbm>>
      tpu.wait_dma2 semaphore(%run_scoped3A_244 : memref<!tpu.dma_semaphore, #tpu.memory_space<semaphore_mem>>) src(%arg7 : memref<32x768xf32, #tpu.memory_space<vmem>>) dst(%dma_wait3A_256 : memref<32x768xf32, #tpu.memory_space<hbm>>)
      tpu.yield
    }) : () -> ()
    %add3A_225 = arith.constant 1 : i32
    %add3A_226 = arith.addi %select_n3A_124, %add3A_225 : i32
    %add3A_227 = arith.constant 448 : i32
    %add3A_228 = arith.addi %multiple_of3A_168, %add3A_227 : i32
    "tpu.region"() ({
      %run_scoped3A_244 = tpu.sem_alloc : memref<!tpu.dma_semaphore, #tpu.memory_space<semaphore_mem>>
      %dma_start3A_245 = arith.constant 0 : i32
      %dma_start3A_246 = tpu.memref_slice %arg5[%add3A_226, %add3A_228, %dma_start3A_245] : memref<77x1024x768xf32, #tpu.memory_space<hbm>> -> memref<1x32x768xf32, #tpu.memory_space<hbm>>
      %dma_start3A_247 = tpu.memref_squeeze %dma_start3A_246 : memref<1x32x768xf32, #tpu.memory_space<hbm>> -> memref<32x768xf32, #tpu.memory_space<hbm>>
      %dma_start3A_248 = arith.constant 0 : i32
      %dma_start3A_249 = tpu.memref_slice %arg5[%add3A_226, %add3A_228, %dma_start3A_248] : memref<77x1024x768xf32, #tpu.memory_space<hbm>> -> memref<1x32x768xf32, #tpu.memory_space<hbm>>
      %dma_start3A_250 = tpu.memref_squeeze %dma_start3A_249 : memref<1x32x768xf32, #tpu.memory_space<hbm>> -> memref<32x768xf32, #tpu.memory_space<hbm>>
      tpu.enqueue_dma source(%arg7 : memref<32x768xf32, #tpu.memory_space<vmem>>) target(%dma_start3A_250 : memref<32x768xf32, #tpu.memory_space<hbm>>) target_semaphore(%run_scoped3A_244 : memref<!tpu.dma_semaphore, #tpu.memory_space<semaphore_mem>>)
      %dma_wait3A_251 = arith.constant 0 : i32
      %dma_wait3A_252 = tpu.memref_slice %arg5[%add3A_226, %add3A_228, %dma_wait3A_251] : memref<77x1024x768xf32, #tpu.memory_space<hbm>> -> memref<1x32x768xf32, #tpu.memory_space<hbm>>
      %dma_wait3A_253 = tpu.memref_squeeze %dma_wait3A_252 : memref<1x32x768xf32, #tpu.memory_space<hbm>> -> memref<32x768xf32, #tpu.memory_space<hbm>>
      %dma_wait3A_254 = arith.constant 0 : i32
      %dma_wait3A_255 = tpu.memref_slice %arg5[%add3A_226, %add3A_228, %dma_wait3A_254] : memref<77x1024x768xf32, #tpu.memory_space<hbm>> -> memref<1x32x768xf32, #tpu.memory_space<hbm>>
      %dma_wait3A_256 = tpu.memref_squeeze %dma_wait3A_255 : memref<1x32x768xf32, #tpu.memory_space<hbm>> -> memref<32x768xf32, #tpu.memory_space<hbm>>
      tpu.wait_dma2 semaphore(%run_scoped3A_244 : memref<!tpu.dma_semaphore, #tpu.memory_space<semaphore_mem>>) src(%arg7 : memref<32x768xf32, #tpu.memory_space<vmem>>) dst(%dma_wait3A_256 : memref<32x768xf32, #tpu.memory_space<hbm>>)
      tpu.yield
    }) : () -> ()
    %add3A_229 = arith.constant 1 : i32
    %add3A_230 = arith.addi %select_n3A_124, %add3A_229 : i32
    %add3A_231 = arith.constant 480 : i32
    %add3A_232 = arith.addi %multiple_of3A_168, %add3A_231 : i32
    "tpu.region"() ({
      %run_scoped3A_244 = tpu.sem_alloc : memref<!tpu.dma_semaphore, #tpu.memory_space<semaphore_mem>>
      %dma_start3A_245 = arith.constant 0 : i32
      %dma_start3A_246 = tpu.memref_slice %arg5[%add3A_230, %add3A_232, %dma_start3A_245] : memref<77x1024x768xf32, #tpu.memory_space<hbm>> -> memref<1x32x768xf32, #tpu.memory_space<hbm>>
      %dma_start3A_247 = tpu.memref_squeeze %dma_start3A_246 : memref<1x32x768xf32, #tpu.memory_space<hbm>> -> memref<32x768xf32, #tpu.memory_space<hbm>>
      %dma_start3A_248 = arith.constant 0 : i32
      %dma_start3A_249 = tpu.memref_slice %arg5[%add3A_230, %add3A_232, %dma_start3A_248] : memref<77x1024x768xf32, #tpu.memory_space<hbm>> -> memref<1x32x768xf32, #tpu.memory_space<hbm>>
      %dma_start3A_250 = tpu.memref_squeeze %dma_start3A_249 : memref<1x32x768xf32, #tpu.memory_space<hbm>> -> memref<32x768xf32, #tpu.memory_space<hbm>>
      tpu.enqueue_dma source(%arg7 : memref<32x768xf32, #tpu.memory_space<vmem>>) target(%dma_start3A_250 : memref<32x768xf32, #tpu.memory_space<hbm>>) target_semaphore(%run_scoped3A_244 : memref<!tpu.dma_semaphore, #tpu.memory_space<semaphore_mem>>)
      %dma_wait3A_251 = arith.constant 0 : i32
      %dma_wait3A_252 = tpu.memref_slice %arg5[%add3A_230, %add3A_232, %dma_wait3A_251] : memref<77x1024x768xf32, #tpu.memory_space<hbm>> -> memref<1x32x768xf32, #tpu.memory_space<hbm>>
      %dma_wait3A_253 = tpu.memref_squeeze %dma_wait3A_252 : memref<1x32x768xf32, #tpu.memory_space<hbm>> -> memref<32x768xf32, #tpu.memory_space<hbm>>
      %dma_wait3A_254 = arith.constant 0 : i32
      %dma_wait3A_255 = tpu.memref_slice %arg5[%add3A_230, %add3A_232, %dma_wait3A_254] : memref<77x1024x768xf32, #tpu.memory_space<hbm>> -> memref<1x32x768xf32, #tpu.memory_space<hbm>>
      %dma_wait3A_256 = tpu.memref_squeeze %dma_wait3A_255 : memref<1x32x768xf32, #tpu.memory_space<hbm>> -> memref<32x768xf32, #tpu.memory_space<hbm>>
      tpu.wait_dma2 semaphore(%run_scoped3A_244 : memref<!tpu.dma_semaphore, #tpu.memory_space<semaphore_mem>>) src(%arg7 : memref<32x768xf32, #tpu.memory_space<vmem>>) dst(%dma_wait3A_256 : memref<32x768xf32, #tpu.memory_space<hbm>>)
      tpu.yield
    }) : () -> ()
    %scan3A = arith.constant 0 : i32
    %scan3A_233 = arith.constant 0 : i32
    %scan3A_234 = arith.constant 20 : i32
    %scan3A_235 = arith.addi %scan3A_233, %scan3A_234 : i32
    %scan3A_236 = arith.constant 1 : i32
    scf.for %scan3A_244 = %scan3A_233 to %scan3A_235 step %scan3A_236  : i32 {
      %mul3A_245 = arith.constant 3 : i32
      %mul3A_246 = arith.muli %mul3A_245, %scan3A_244 : i32
      %add3A_247 = arith.constant 0 : i32
      %add3A_248 = arith.addi %mul3A_246, %add3A_247 : i32
      %dma_wait3A_249 = arith.constant 0 : i32
      %dma_wait3A_250 = arith.constant 0 : i32
      %dma_wait3A_251 = tpu.memref_slice %arg3[%dma_wait3A_249, %dma_wait3A_250] : memref<49408x768xf32, #tpu.memory_space<hbm>> -> memref<32x768xf32, #tpu.memory_space<hbm>>
      %dma_wait3A_252 = arith.constant 0 : i32
      %dma_wait3A_253 = arith.constant 0 : i32
      %dma_wait3A_254 = tpu.memref_slice %arg3[%dma_wait3A_252, %dma_wait3A_253] : memref<49408x768xf32, #tpu.memory_space<hbm>> -> memref<32x768xf32, #tpu.memory_space<hbm>>
      tpu.wait_dma2 semaphore(%arg11 : memref<!tpu.dma_semaphore, #tpu.memory_space<semaphore_mem>>) src(%dma_wait3A_254 : memref<32x768xf32, #tpu.memory_space<hbm>>) dst(%arg8 : memref<32x768xf32, #tpu.memory_space<vmem>>)
      %eq3A_255 = arith.constant 0 : i32
      %eq3A_256 = arith.cmpi eq, %add3A_248, %eq3A_255 : i32
      %add3A_257 = arith.constant 16 : i32
      %add3A_258 = arith.addi %add3A_248, %add3A_257 : i32
      %jit3A_259 = arith.constant 0 : i32
      %select_n3A_260 = arith.select %eq3A_256, %jit3A_259, %add3A_258 : i32
      "tpu.region"() ({
        %run_scoped3A_308 = tpu.sem_alloc : memref<!tpu.dma_semaphore, #tpu.memory_space<semaphore_mem>>
        %dma_start3A_309 = arith.constant 0 : i32
        %dma_start3A_310 = tpu.memref_slice %arg5[%select_n3A_260, %multiple_of3A, %dma_start3A_309] : memref<77x1024x768xf32, #tpu.memory_space<hbm>> -> memref<1x32x768xf32, #tpu.memory_space<hbm>>
        %dma_start3A_311 = tpu.memref_squeeze %dma_start3A_310 : memref<1x32x768xf32, #tpu.memory_space<hbm>> -> memref<32x768xf32, #tpu.memory_space<hbm>>
        %dma_start3A_312 = arith.constant 0 : i32
        %dma_start3A_313 = tpu.memref_slice %arg5[%select_n3A_260, %multiple_of3A, %dma_start3A_312] : memref<77x1024x768xf32, #tpu.memory_space<hbm>> -> memref<1x32x768xf32, #tpu.memory_space<hbm>>
        %dma_start3A_314 = tpu.memref_squeeze %dma_start3A_313 : memref<1x32x768xf32, #tpu.memory_space<hbm>> -> memref<32x768xf32, #tpu.memory_space<hbm>>
        tpu.enqueue_dma source(%arg8 : memref<32x768xf32, #tpu.memory_space<vmem>>) target(%dma_start3A_314 : memref<32x768xf32, #tpu.memory_space<hbm>>) target_semaphore(%run_scoped3A_308 : memref<!tpu.dma_semaphore, #tpu.memory_space<semaphore_mem>>)
        %dma_wait3A_315 = arith.constant 0 : i32
        %dma_wait3A_316 = tpu.memref_slice %arg5[%select_n3A_260, %multiple_of3A, %dma_wait3A_315] : memref<77x1024x768xf32, #tpu.memory_space<hbm>> -> memref<1x32x768xf32, #tpu.memory_space<hbm>>
        %dma_wait3A_317 = tpu.memref_squeeze %dma_wait3A_316 : memref<1x32x768xf32, #tpu.memory_space<hbm>> -> memref<32x768xf32, #tpu.memory_space<hbm>>
        %dma_wait3A_318 = arith.constant 0 : i32
        %dma_wait3A_319 = tpu.memref_slice %arg5[%select_n3A_260, %multiple_of3A, %dma_wait3A_318] : memref<77x1024x768xf32, #tpu.memory_space<hbm>> -> memref<1x32x768xf32, #tpu.memory_space<hbm>>
        %dma_wait3A_320 = tpu.memref_squeeze %dma_wait3A_319 : memref<1x32x768xf32, #tpu.memory_space<hbm>> -> memref<32x768xf32, #tpu.memory_space<hbm>>
        tpu.wait_dma2 semaphore(%run_scoped3A_308 : memref<!tpu.dma_semaphore, #tpu.memory_space<semaphore_mem>>) src(%arg8 : memref<32x768xf32, #tpu.memory_space<vmem>>) dst(%dma_wait3A_320 : memref<32x768xf32, #tpu.memory_space<hbm>>)
        tpu.yield
      }) : () -> ()
      %add3A_261 = arith.constant 3 : i32
      %add3A_262 = arith.addi %add3A_248, %add3A_261 : i32
      %lt3A_263 = arith.constant 61 : i32
      %lt3A_264 = arith.cmpi slt, %add3A_262, %lt3A_263 : i32
      %convert_element_type3A = arith.extui %lt3A_264 : i1 to i32
      %cond3A = arith.constant 0 : i32
      %cond3A_265 = arith.cmpi ne, %convert_element_type3A, %cond3A : i32
      scf.if %cond3A_265 {
        %add3A_308 = arith.constant 3 : i32
        %add3A_309 = arith.addi %add3A_248, %add3A_308 : i32
        %get3A_310 = arith.index_cast %add3A_309 : i32 to index
        %get3A_311 = arith.index_cast %multiple_of3A_38 : i32 to index
        %get3A_312 = tpu.vector_load %arg6[%get3A_310, %get3A_311] {strides = array<i32>} : memref<64x128xi32, #tpu.memory_space<vmem>>, vector<1x16xi32>,
        %get3A_313 = vector.shape_cast %get3A_312 : vector<1x16xi32> to vector<16xi32>
        %add3A_314 = arith.constant 16 : i32
        %add3A_315 = arith.addi %multiple_of3A_38, %add3A_314 : i32
        %get3A_316 = arith.index_cast %add3A_309 : i32 to index
        %get3A_317 = arith.index_cast %add3A_315 : i32 to index
        %get3A_318 = tpu.vector_load %arg6[%get3A_316, %get3A_317] {strides = array<i32>} : memref<64x128xi32, #tpu.memory_space<vmem>>, vector<1x16xi32>,
        %get3A_319 = vector.shape_cast %get3A_318 : vector<1x16xi32> to vector<16xi32>
        %dma_start3A_320 = arith.constant 0 : i32
        %dma_start3A_321 = arith.constant 0 : i32
        %dma_start3A_322 = tpu.memref_slice %arg8[%dma_start3A_320, %dma_start3A_321] : memref<32x768xf32, #tpu.memory_space<vmem>> -> memref<16x768xf32, #tpu.memory_space<vmem>>
        %dma_start3A_323 = arith.constant 0 : i32
        %dma_start3A_324 = arith.constant 0 : i32
        %dma_start3A_325 = tpu.memref_slice %arg3[%dma_start3A_323, %dma_start3A_324] : memref<49408x768xf32, #tpu.memory_space<hbm>> -> memref<49408x768xf32, #tpu.memory_space<hbm>>
        tpu.enqueue_indirect_dma source(%dma_start3A_325 : memref<49408x768xf32, #tpu.memory_space<hbm>>) target(%dma_start3A_322 : memref<16x768xf32, #tpu.memory_space<vmem>>) offsets(%get3A_313 : vector<16xi32>) semaphore(%arg11 : memref<!tpu.dma_semaphore, #tpu.memory_space<semaphore_mem>>)
        %dma_start3A_326 = arith.constant 16 : i32
        %dma_start3A_327 = arith.constant 0 : i32
        %dma_start3A_328 = tpu.memref_slice %arg8[%dma_start3A_326, %dma_start3A_327] : memref<32x768xf32, #tpu.memory_space<vmem>> -> memref<16x768xf32, #tpu.memory_space<vmem>>
        %dma_start3A_329 = arith.constant 0 : i32
        %dma_start3A_330 = arith.constant 0 : i32
        %dma_start3A_331 = tpu.memref_slice %arg3[%dma_start3A_329, %dma_start3A_330] : memref<49408x768xf32, #tpu.memory_space<hbm>> -> memref<49408x768xf32, #tpu.memory_space<hbm>>
        tpu.enqueue_indirect_dma source(%dma_start3A_331 : memref<49408x768xf32, #tpu.memory_space<hbm>>) target(%dma_start3A_328 : memref<16x768xf32, #tpu.memory_space<vmem>>) offsets(%get3A_319 : vector<16xi32>) semaphore(%arg11 : memref<!tpu.dma_semaphore, #tpu.memory_space<semaphore_mem>>)
      } else {
      }
      %add3A_266 = arith.constant 1 : i32
      %add3A_267 = arith.addi %mul3A_246, %add3A_266 : i32
      %dma_wait3A_268 = arith.constant 0 : i32
      %dma_wait3A_269 = arith.constant 0 : i32
      %dma_wait3A_270 = tpu.memref_slice %arg3[%dma_wait3A_268, %dma_wait3A_269] : memref<49408x768xf32, #tpu.memory_space<hbm>> -> memref<32x768xf32, #tpu.memory_space<hbm>>
      %dma_wait3A_271 = arith.constant 0 : i32
      %dma_wait3A_272 = arith.constant 0 : i32
      %dma_wait3A_273 = tpu.memref_slice %arg3[%dma_wait3A_271, %dma_wait3A_272] : memref<49408x768xf32, #tpu.memory_space<hbm>> -> memref<32x768xf32, #tpu.memory_space<hbm>>
      tpu.wait_dma2 semaphore(%arg12 : memref<!tpu.dma_semaphore, #tpu.memory_space<semaphore_mem>>) src(%dma_wait3A_273 : memref<32x768xf32, #tpu.memory_space<hbm>>) dst(%arg9 : memref<32x768xf32, #tpu.memory_space<vmem>>)
      %eq3A_274 = arith.constant 0 : i32
      %eq3A_275 = arith.cmpi eq, %add3A_267, %eq3A_274 : i32
      %add3A_276 = arith.constant 16 : i32
      %add3A_277 = arith.addi %add3A_267, %add3A_276 : i32
      %jit3A_278 = arith.constant 0 : i32
      %select_n3A_279 = arith.select %eq3A_275, %jit3A_278, %add3A_277 : i32
      "tpu.region"() ({
        %run_scoped3A_308 = tpu.sem_alloc : memref<!tpu.dma_semaphore, #tpu.memory_space<semaphore_mem>>
        %dma_start3A_309 = arith.constant 0 : i32
        %dma_start3A_310 = tpu.memref_slice %arg5[%select_n3A_279, %multiple_of3A, %dma_start3A_309] : memref<77x1024x768xf32, #tpu.memory_space<hbm>> -> memref<1x32x768xf32, #tpu.memory_space<hbm>>
        %dma_start3A_311 = tpu.memref_squeeze %dma_start3A_310 : memref<1x32x768xf32, #tpu.memory_space<hbm>> -> memref<32x768xf32, #tpu.memory_space<hbm>>
        %dma_start3A_312 = arith.constant 0 : i32
        %dma_start3A_313 = tpu.memref_slice %arg5[%select_n3A_279, %multiple_of3A, %dma_start3A_312] : memref<77x1024x768xf32, #tpu.memory_space<hbm>> -> memref<1x32x768xf32, #tpu.memory_space<hbm>>
        %dma_start3A_314 = tpu.memref_squeeze %dma_start3A_313 : memref<1x32x768xf32, #tpu.memory_space<hbm>> -> memref<32x768xf32, #tpu.memory_space<hbm>>
        tpu.enqueue_dma source(%arg9 : memref<32x768xf32, #tpu.memory_space<vmem>>) target(%dma_start3A_314 : memref<32x768xf32, #tpu.memory_space<hbm>>) target_semaphore(%run_scoped3A_308 : memref<!tpu.dma_semaphore, #tpu.memory_space<semaphore_mem>>)
        %dma_wait3A_315 = arith.constant 0 : i32
        %dma_wait3A_316 = tpu.memref_slice %arg5[%select_n3A_279, %multiple_of3A, %dma_wait3A_315] : memref<77x1024x768xf32, #tpu.memory_space<hbm>> -> memref<1x32x768xf32, #tpu.memory_space<hbm>>
        %dma_wait3A_317 = tpu.memref_squeeze %dma_wait3A_316 : memref<1x32x768xf32, #tpu.memory_space<hbm>> -> memref<32x768xf32, #tpu.memory_space<hbm>>
        %dma_wait3A_318 = arith.constant 0 : i32
        %dma_wait3A_319 = tpu.memref_slice %arg5[%select_n3A_279, %multiple_of3A, %dma_wait3A_318] : memref<77x1024x768xf32, #tpu.memory_space<hbm>> -> memref<1x32x768xf32, #tpu.memory_space<hbm>>
        %dma_wait3A_320 = tpu.memref_squeeze %dma_wait3A_319 : memref<1x32x768xf32, #tpu.memory_space<hbm>> -> memref<32x768xf32, #tpu.memory_space<hbm>>
        tpu.wait_dma2 semaphore(%run_scoped3A_308 : memref<!tpu.dma_semaphore, #tpu.memory_space<semaphore_mem>>) src(%arg9 : memref<32x768xf32, #tpu.memory_space<vmem>>) dst(%dma_wait3A_320 : memref<32x768xf32, #tpu.memory_space<hbm>>)
        tpu.yield
      }) : () -> ()
      %add3A_280 = arith.constant 3 : i32
      %add3A_281 = arith.addi %add3A_267, %add3A_280 : i32
      %lt3A_282 = arith.constant 61 : i32
      %lt3A_283 = arith.cmpi slt, %add3A_281, %lt3A_282 : i32
      %convert_element_type3A_284 = arith.extui %lt3A_283 : i1 to i32
      %cond3A_285 = arith.constant 0 : i32
      %cond3A_286 = arith.cmpi ne, %convert_element_type3A_284, %cond3A_285 : i32
      scf.if %cond3A_286 {
        %add3A_308 = arith.constant 3 : i32
        %add3A_309 = arith.addi %add3A_267, %add3A_308 : i32
        %get3A_310 = arith.index_cast %add3A_309 : i32 to index
        %get3A_311 = arith.index_cast %multiple_of3A_38 : i32 to index
        %get3A_312 = tpu.vector_load %arg6[%get3A_310, %get3A_311] {strides = array<i32>} : memref<64x128xi32, #tpu.memory_space<vmem>>, vector<1x16xi32>,
        %get3A_313 = vector.shape_cast %get3A_312 : vector<1x16xi32> to vector<16xi32>
        %add3A_314 = arith.constant 16 : i32
        %add3A_315 = arith.addi %multiple_of3A_38, %add3A_314 : i32
        %get3A_316 = arith.index_cast %add3A_309 : i32 to index
        %get3A_317 = arith.index_cast %add3A_315 : i32 to index
        %get3A_318 = tpu.vector_load %arg6[%get3A_316, %get3A_317] {strides = array<i32>} : memref<64x128xi32, #tpu.memory_space<vmem>>, vector<1x16xi32>,
        %get3A_319 = vector.shape_cast %get3A_318 : vector<1x16xi32> to vector<16xi32>
        %dma_start3A_320 = arith.constant 0 : i32
        %dma_start3A_321 = arith.constant 0 : i32
        %dma_start3A_322 = tpu.memref_slice %arg9[%dma_start3A_320, %dma_start3A_321] : memref<32x768xf32, #tpu.memory_space<vmem>> -> memref<16x768xf32, #tpu.memory_space<vmem>>
        %dma_start3A_323 = arith.constant 0 : i32
        %dma_start3A_324 = arith.constant 0 : i32
        %dma_start3A_325 = tpu.memref_slice %arg3[%dma_start3A_323, %dma_start3A_324] : memref<49408x768xf32, #tpu.memory_space<hbm>> -> memref<49408x768xf32, #tpu.memory_space<hbm>>
        tpu.enqueue_indirect_dma source(%dma_start3A_325 : memref<49408x768xf32, #tpu.memory_space<hbm>>) target(%dma_start3A_322 : memref<16x768xf32, #tpu.memory_space<vmem>>) offsets(%get3A_313 : vector<16xi32>) semaphore(%arg12 : memref<!tpu.dma_semaphore, #tpu.memory_space<semaphore_mem>>)
        %dma_start3A_326 = arith.constant 16 : i32
        %dma_start3A_327 = arith.constant 0 : i32
        %dma_start3A_328 = tpu.memref_slice %arg9[%dma_start3A_326, %dma_start3A_327] : memref<32x768xf32, #tpu.memory_space<vmem>> -> memref<16x768xf32, #tpu.memory_space<vmem>>
        %dma_start3A_329 = arith.constant 0 : i32
        %dma_start3A_330 = arith.constant 0 : i32
        %dma_start3A_331 = tpu.memref_slice %arg3[%dma_start3A_329, %dma_start3A_330] : memref<49408x768xf32, #tpu.memory_space<hbm>> -> memref<49408x768xf32, #tpu.memory_space<hbm>>
        tpu.enqueue_indirect_dma source(%dma_start3A_331 : memref<49408x768xf32, #tpu.memory_space<hbm>>) target(%dma_start3A_328 : memref<16x768xf32, #tpu.memory_space<vmem>>) offsets(%get3A_319 : vector<16xi32>) semaphore(%arg12 : memref<!tpu.dma_semaphore, #tpu.memory_space<semaphore_mem>>)
      } else {
      }
      %add3A_287 = arith.constant 2 : i32
      %add3A_288 = arith.addi %mul3A_246, %add3A_287 : i32
      %dma_wait3A_289 = arith.constant 0 : i32
      %dma_wait3A_290 = arith.constant 0 : i32
      %dma_wait3A_291 = tpu.memref_slice %arg3[%dma_wait3A_289, %dma_wait3A_290] : memref<49408x768xf32, #tpu.memory_space<hbm>> -> memref<32x768xf32, #tpu.memory_space<hbm>>
      %dma_wait3A_292 = arith.constant 0 : i32
      %dma_wait3A_293 = arith.constant 0 : i32
      %dma_wait3A_294 = tpu.memref_slice %arg3[%dma_wait3A_292, %dma_wait3A_293] : memref<49408x768xf32, #tpu.memory_space<hbm>> -> memref<32x768xf32, #tpu.memory_space<hbm>>
      tpu.wait_dma2 semaphore(%arg13 : memref<!tpu.dma_semaphore, #tpu.memory_space<semaphore_mem>>) src(%dma_wait3A_294 : memref<32x768xf32, #tpu.memory_space<hbm>>) dst(%arg10 : memref<32x768xf32, #tpu.memory_space<vmem>>)
      %eq3A_295 = arith.constant 0 : i32
      %eq3A_296 = arith.cmpi eq, %add3A_288, %eq3A_295 : i32
      %add3A_297 = arith.constant 16 : i32
      %add3A_298 = arith.addi %add3A_288, %add3A_297 : i32
      %jit3A_299 = arith.constant 0 : i32
      %select_n3A_300 = arith.select %eq3A_296, %jit3A_299, %add3A_298 : i32
      "tpu.region"() ({
        %run_scoped3A_308 = tpu.sem_alloc : memref<!tpu.dma_semaphore, #tpu.memory_space<semaphore_mem>>
        %dma_start3A_309 = arith.constant 0 : i32
        %dma_start3A_310 = tpu.memref_slice %arg5[%select_n3A_300, %multiple_of3A, %dma_start3A_309] : memref<77x1024x768xf32, #tpu.memory_space<hbm>> -> memref<1x32x768xf32, #tpu.memory_space<hbm>>
        %dma_start3A_311 = tpu.memref_squeeze %dma_start3A_310 : memref<1x32x768xf32, #tpu.memory_space<hbm>> -> memref<32x768xf32, #tpu.memory_space<hbm>>
        %dma_start3A_312 = arith.constant 0 : i32
        %dma_start3A_313 = tpu.memref_slice %arg5[%select_n3A_300, %multiple_of3A, %dma_start3A_312] : memref<77x1024x768xf32, #tpu.memory_space<hbm>> -> memref<1x32x768xf32, #tpu.memory_space<hbm>>
        %dma_start3A_314 = tpu.memref_squeeze %dma_start3A_313 : memref<1x32x768xf32, #tpu.memory_space<hbm>> -> memref<32x768xf32, #tpu.memory_space<hbm>>
        tpu.enqueue_dma source(%arg10 : memref<32x768xf32, #tpu.memory_space<vmem>>) target(%dma_start3A_314 : memref<32x768xf32, #tpu.memory_space<hbm>>) target_semaphore(%run_scoped3A_308 : memref<!tpu.dma_semaphore, #tpu.memory_space<semaphore_mem>>)
        %dma_wait3A_315 = arith.constant 0 : i32
        %dma_wait3A_316 = tpu.memref_slice %arg5[%select_n3A_300, %multiple_of3A, %dma_wait3A_315] : memref<77x1024x768xf32, #tpu.memory_space<hbm>> -> memref<1x32x768xf32, #tpu.memory_space<hbm>>
        %dma_wait3A_317 = tpu.memref_squeeze %dma_wait3A_316 : memref<1x32x768xf32, #tpu.memory_space<hbm>> -> memref<32x768xf32, #tpu.memory_space<hbm>>
        %dma_wait3A_318 = arith.constant 0 : i32
        %dma_wait3A_319 = tpu.memref_slice %arg5[%select_n3A_300, %multiple_of3A, %dma_wait3A_318] : memref<77x1024x768xf32, #tpu.memory_space<hbm>> -> memref<1x32x768xf32, #tpu.memory_space<hbm>>
        %dma_wait3A_320 = tpu.memref_squeeze %dma_wait3A_319 : memref<1x32x768xf32, #tpu.memory_space<hbm>> -> memref<32x768xf32, #tpu.memory_space<hbm>>
        tpu.wait_dma2 semaphore(%run_scoped3A_308 : memref<!tpu.dma_semaphore, #tpu.memory_space<semaphore_mem>>) src(%arg10 : memref<32x768xf32, #tpu.memory_space<vmem>>) dst(%dma_wait3A_320 : memref<32x768xf32, #tpu.memory_space<hbm>>)
        tpu.yield
      }) : () -> ()
      %add3A_301 = arith.constant 3 : i32
      %add3A_302 = arith.addi %add3A_288, %add3A_301 : i32
      %lt3A_303 = arith.constant 61 : i32
      %lt3A_304 = arith.cmpi slt, %add3A_302, %lt3A_303 : i32
      %convert_element_type3A_305 = arith.extui %lt3A_304 : i1 to i32
      %cond3A_306 = arith.constant 0 : i32
      %cond3A_307 = arith.cmpi ne, %convert_element_type3A_305, %cond3A_306 : i32
      scf.if %cond3A_307 {
        %add3A_308 = arith.constant 3 : i32
        %add3A_309 = arith.addi %add3A_288, %add3A_308 : i32
        %get3A_310 = arith.index_cast %add3A_309 : i32 to index
        %get3A_311 = arith.index_cast %multiple_of3A_38 : i32 to index
        %get3A_312 = tpu.vector_load %arg6[%get3A_310, %get3A_311] {strides = array<i32>} : memref<64x128xi32, #tpu.memory_space<vmem>>, vector<1x16xi32>,
        %get3A_313 = vector.shape_cast %get3A_312 : vector<1x16xi32> to vector<16xi32>
        %add3A_314 = arith.constant 16 : i32
        %add3A_315 = arith.addi %multiple_of3A_38, %add3A_314 : i32
        %get3A_316 = arith.index_cast %add3A_309 : i32 to index
        %get3A_317 = arith.index_cast %add3A_315 : i32 to index
        %get3A_318 = tpu.vector_load %arg6[%get3A_316, %get3A_317] {strides = array<i32>} : memref<64x128xi32, #tpu.memory_space<vmem>>, vector<1x16xi32>,
        %get3A_319 = vector.shape_cast %get3A_318 : vector<1x16xi32> to vector<16xi32>
        %dma_start3A_320 = arith.constant 0 : i32
        %dma_start3A_321 = arith.constant 0 : i32
        %dma_start3A_322 = tpu.memref_slice %arg10[%dma_start3A_320, %dma_start3A_321] : memref<32x768xf32, #tpu.memory_space<vmem>> -> memref<16x768xf32, #tpu.memory_space<vmem>>
        %dma_start3A_323 = arith.constant 0 : i32
        %dma_start3A_324 = arith.constant 0 : i32
        %dma_start3A_325 = tpu.memref_slice %arg3[%dma_start3A_323, %dma_start3A_324] : memref<49408x768xf32, #tpu.memory_space<hbm>> -> memref<49408x768xf32, #tpu.memory_space<hbm>>
        tpu.enqueue_indirect_dma source(%dma_start3A_325 : memref<49408x768xf32, #tpu.memory_space<hbm>>) target(%dma_start3A_322 : memref<16x768xf32, #tpu.memory_space<vmem>>) offsets(%get3A_313 : vector<16xi32>) semaphore(%arg13 : memref<!tpu.dma_semaphore, #tpu.memory_space<semaphore_mem>>)
        %dma_start3A_326 = arith.constant 16 : i32
        %dma_start3A_327 = arith.constant 0 : i32
        %dma_start3A_328 = tpu.memref_slice %arg10[%dma_start3A_326, %dma_start3A_327] : memref<32x768xf32, #tpu.memory_space<vmem>> -> memref<16x768xf32, #tpu.memory_space<vmem>>
        %dma_start3A_329 = arith.constant 0 : i32
        %dma_start3A_330 = arith.constant 0 : i32
        %dma_start3A_331 = tpu.memref_slice %arg3[%dma_start3A_329, %dma_start3A_330] : memref<49408x768xf32, #tpu.memory_space<hbm>> -> memref<49408x768xf32, #tpu.memory_space<hbm>>
        tpu.enqueue_indirect_dma source(%dma_start3A_331 : memref<49408x768xf32, #tpu.memory_space<hbm>>) target(%dma_start3A_328 : memref<16x768xf32, #tpu.memory_space<vmem>>) offsets(%get3A_319 : vector<16xi32>) semaphore(%arg13 : memref<!tpu.dma_semaphore, #tpu.memory_space<semaphore_mem>>)
      } else {
      }
    }
    %scan3A_237 = arith.constant 20 : i32
    %dma_wait3A_238 = arith.constant 0 : i32
    %dma_wait3A_239 = arith.constant 0 : i32
    %dma_wait3A_240 = tpu.memref_slice %arg3[%dma_wait3A_238, %dma_wait3A_239] : memref<49408x768xf32, #tpu.memory_space<hbm>> -> memref<32x768xf32, #tpu.memory_space<hbm>>
    %dma_wait3A_241 = arith.constant 0 : i32
    %dma_wait3A_242 = arith.constant 0 : i32
    %dma_wait3A_243 = tpu.memref_slice %arg3[%dma_wait3A_241, %dma_wait3A_242] : memref<49408x768xf32, #tpu.memory_space<hbm>> -> memref<32x768xf32, #tpu.memory_space<hbm>>
    tpu.wait_dma2 semaphore(%arg11 : memref<!tpu.dma_semaphore, #tpu.memory_space<semaphore_mem>>) src(%dma_wait3A_243 : memref<32x768xf32, #tpu.memory_space<hbm>>) dst(%arg8 : memref<32x768xf32, #tpu.memory_space<vmem>>)
    %run_scoped3A = arith.constant 76 : i32
    "tpu.region"() ({
      %run_scoped3A_244 = tpu.sem_alloc : memref<!tpu.dma_semaphore, #tpu.memory_space<semaphore_mem>>
      %dma_start3A_245 = arith.constant 0 : i32
      %dma_start3A_246 = tpu.memref_slice %arg5[%run_scoped3A, %multiple_of3A, %dma_start3A_245] : memref<77x1024x768xf32, #tpu.memory_space<hbm>> -> memref<1x32x768xf32, #tpu.memory_space<hbm>>
      %dma_start3A_247 = tpu.memref_squeeze %dma_start3A_246 : memref<1x32x768xf32, #tpu.memory_space<hbm>> -> memref<32x768xf32, #tpu.memory_space<hbm>>
      %dma_start3A_248 = arith.constant 0 : i32
      %dma_start3A_249 = tpu.memref_slice %arg5[%run_scoped3A, %multiple_of3A, %dma_start3A_248] : memref<77x1024x768xf32, #tpu.memory_space<hbm>> -> memref<1x32x768xf32, #tpu.memory_space<hbm>>
      %dma_start3A_250 = tpu.memref_squeeze %dma_start3A_249 : memref<1x32x768xf32, #tpu.memory_space<hbm>> -> memref<32x768xf32, #tpu.memory_space<hbm>>
      tpu.enqueue_dma source(%arg8 : memref<32x768xf32, #tpu.memory_space<vmem>>) target(%dma_start3A_250 : memref<32x768xf32, #tpu.memory_space<hbm>>) target_semaphore(%run_scoped3A_244 : memref<!tpu.dma_semaphore, #tpu.memory_space<semaphore_mem>>)
      %dma_wait3A_251 = arith.constant 0 : i32
      %dma_wait3A_252 = tpu.memref_slice %arg5[%run_scoped3A, %multiple_of3A, %dma_wait3A_251] : memref<77x1024x768xf32, #tpu.memory_space<hbm>> -> memref<1x32x768xf32, #tpu.memory_space<hbm>>
      %dma_wait3A_253 = tpu.memref_squeeze %dma_wait3A_252 : memref<1x32x768xf32, #tpu.memory_space<hbm>> -> memref<32x768xf32, #tpu.memory_space<hbm>>
      %dma_wait3A_254 = arith.constant 0 : i32
      %dma_wait3A_255 = tpu.memref_slice %arg5[%run_scoped3A, %multiple_of3A, %dma_wait3A_254] : memref<77x1024x768xf32, #tpu.memory_space<hbm>> -> memref<1x32x768xf32, #tpu.memory_space<hbm>>
      %dma_wait3A_256 = tpu.memref_squeeze %dma_wait3A_255 : memref<1x32x768xf32, #tpu.memory_space<hbm>> -> memref<32x768xf32, #tpu.memory_space<hbm>>
      tpu.wait_dma2 semaphore(%run_scoped3A_244 : memref<!tpu.dma_semaphore, #tpu.memory_space<semaphore_mem>>) src(%arg8 : memref<32x768xf32, #tpu.memory_space<vmem>>) dst(%dma_wait3A_256 : memref<32x768xf32, #tpu.memory_space<hbm>>)
      tpu.yield
    }) : () -> ()
    return
  }
}

</mosaic_0001>

<sc_bundles>
// kernel: kernel.3.cloned.1.call-start
scs
__scs_entry_jumppad:
0x0: {  	(pc) =	sbr.rel $0x88, $3  }
0x1: {  	(tag) =	ssettag $0x0;
	lr =	simm.s32 $0x1  }
0x2: {  	[smem:$0x3F9E] =	sst lr;
	_ =	strace $0xD0000000  }
0x3: {  	_ = 	snop  }
0x4: {  	_ = 	snop  }
0x5: {  	_ = 	snop  }
0x6: {  	_ = 	snop  }
0x7: {  	_ = 	snop  }
__scs_overlays_trampoline_lowered:
0x8: {  	[smem:$0x3FAD] =	sst s0  }
0x9: {  	[smem:$0x3FAE] =	sst s1  }
0xa: {  	[smem:$0x3FAF] =	sst s2  }
0xb: {  	[smem:$0x3FB0] =	sst s3  }
0xc: {  	[smem:$0x3FB1] =	sst s4  }
0xd: {  	[smem:$0x3FB2] =	sst s5  }
0xe: {  	[smem:$0x3FB3] =	sst s6  }
0xf: {  	[smem:$0x3FB4] =	sst s7  }
0x10: {  	[smem:$0x3FB5] =	sst s8  }
0x11: {  	[smem:$0x3FB6] =	sst s9;
	s0 =	simm.s32 @!p0 $0x0  }
0x12: {  	s1 =	sld [smem:$0x3F9C];
	s0 =	simm.s32 @p0 $0x1  }
0x13: {  	[smem:$0x3FB7] =	sst s0;
	s0 =	simm.s32 @!p1 $0x0  }
0x14: {  	s2 =	sld [smem:$0x3F9B];
	s0 =	simm.s32 @p1 $0x1  }
0x15: {  	[smem:$0x3FB8] =	sst s0;
	s0 =	simm.s32 @!p2 $0x0  }
0x16: {  	s3 =	sld [smem:$0x3FDB];
	s0 =	simm.s32 @p2 $0x1  }
0x17: {  	s4 =	simm.s32 $0x1BF5;
	[smem:$0x3FBA] =	sst s0  }
0x18: {  	s0 =	sld [smem:$0x3F9D];
	_ =	swait.ge [sflag:s4], $0x0  }
0x19: {  	s7 =	sld [smem:$0x3F9E]  }
0x1a: {  	s8 =	sadd.s32 $0xFFFFE003, lr  }
0x1b: {  	s9 =	sadd.s32 $0xFFFFFEF7, lr;
	s5 =	simm.s32 $0xFFFFFFFF;
	p2 =	slt.u32 s8, $0xFFFFF086  }
0x1c: {  	p1 =	slt.u32 s9, $0xF7A;
	s5 =	simm.s32 @!p2 $0x0  }
0x1d: {  	s5 =	simm.s32 @p1 $0x1;
	p0 =	seq.s32 s7, s2  }
0x1e: {  	s7 =	smul.u32 @!p0 $0xF7A, s2;
	p2 =	seq.s32 @!p0 s5, $0x0  }
0x1f: {  	s9 =	smul.u32 $0xF7A, s1;
	s8 =	simm.s32 @!p0 $0x1BF5;
	p2 =	por !p2, p0  }
0x20: {  	[sflag:s8] =	ssyncset.s32 @!p0 $0xFFFFF086;
	s6 =	sadd.s32 @!p0 s3, s7;
	s7 =	simm.s32 @!p0 $0x108  }
0x21: {  	s3 =	sadd.s32 s3, s9;
	s6 =	sadd.s32 @!p0 $0x88, s6;
	s7 =	simm.s32 @p2 $0x1082  }
0x22: {  	[simem:s7], [sflag:s8] =	dma.local @!p0 [hbm:s6], $0xF7A  }
0x23: {  	s9 =	sor.u32 $0xD0000000, s2;
	s6 =	simm.s32 $0x108;
	_ =	swait.ge @!p0 [sflag:s8], $0x0  }
0x24: {  	s3 =	sadd.s32 $0x88, s3;
	s6 =	simm.s32 @!p1 $0x1082;
	[sflag:s4] =	ssyncset.s32 $0xFFFFF086  }
0x25: {  	[simem:s6], [sflag:s4] =	dma.local [hbm:s3], $0xF7A  }
0x26: {  	[smem:$0x3F9E] =	sst s1;
	(tag) =	ssettag s2;
	_ =	strace s9  }
0x27: {  	s1 =	sld [smem:$0x3FAE]  }
0x28: {  	s2 =	sld [smem:$0x3FAF]  }
0x29: {  	s4 =	sld [smem:$0x3FB1]  }
0x2a: {  	p0 =	seq.s32 s5, $0x0;
	s5 =	sld [smem:$0x3FB2]  }
0x2b: {  	s6 =	sld [smem:$0x3FB3]  }
0x2c: {  	s7 =	sld [smem:$0x3FB4]  }
0x2d: {  	s3 =	simm.s32 $0x108;
	s8 =	sld [smem:$0x3FB5]  }
0x2e: {  	s3 =	simm.s32 @!p0 $0x1082;
	s9 =	sld [smem:$0x3FB6]  }
0x2f: {  	lr =	sadd.s32 s0, s3;
	s0 =	sld [smem:$0x3FAD]  }
0x30: {  	s3 =	sld [smem:$0x3FB0]  }
0x31: {  	[smem:$0x3FB9] =	sst s10  }
0x32: {  	s10 =	sld [smem:$0x3FB7];
	_ =	sdelay $0x3  }
0x33: {  	p0 =	seq.s32 s10, $0x1;
	s10 =	sld [smem:$0x3FB9];
	_ =	sdelay $0x3  }
0x34: {  	[smem:$0x3FB9] =	sst s10  }
0x35: {  	s10 =	sld [smem:$0x3FB8];
	_ =	sdelay $0x3  }
0x36: {  	p1 =	seq.s32 s10, $0x1;
	s10 =	sld [smem:$0x3FB9];
	_ =	sdelay $0x3  }
0x37: {  	[smem:$0x3FB9] =	sst s10  }
0x38: {  	s10 =	sld [smem:$0x3FBA]  }
0x39: {  	_ = 	snop;
	(pc) =	sbr.ind lr, $3  }
0x3a: {  	_ = 	snop  }
0x3b: {  	_ = 	snop  }
0x3c: {  	p2 =	seq.s32 s10, $0x1;
	s10 =	sld [smem:$0x3FB9]  }
0x3d: {  	_ =	shalt  }
0x3e: {  	_ =	shalt  }
0x3f: {  	_ =	shalt  }
0x40: {  	_ =	shalt  }
0x41: {  	_ =	shalt  }
0x42: {  	_ =	shalt  }
0x43: {  	_ =	shalt  }
0x44: {  	_ =	shalt  }
0x45: {  	_ =	shalt  }
0x46: {  	_ =	shalt  }
0x47: {  	_ =	shalt  }
0x48: {  	_ =	shalt  }
0x49: {  	_ =	shalt  }
0x4a: {  	_ =	shalt  }
0x4b: {  	_ =	shalt  }
0x4c: {  	_ =	shalt  }
0x4d: {  	_ =	shalt  }
0x4e: {  	_ =	shalt  }
0x4f: {  	_ =	shalt  }
0x50: {  	_ =	shalt  }
0x51: {  	_ =	shalt  }
0x52: {  	_ =	shalt  }
0x53: {  	_ =	shalt  }
0x54: {  	_ =	shalt  }
0x55: {  	_ =	shalt  }
0x56: {  	_ =	shalt  }
0x57: {  	_ =	shalt  }
0x58: {  	_ =	shalt  }
0x59: {  	_ =	shalt  }
0x5a: {  	_ =	shalt  }
0x5b: {  	_ =	shalt  }
0x5c: {  	_ =	shalt  }
0x5d: {  	_ =	shalt  }
0x5e: {  	_ =	shalt  }
0x5f: {  	_ =	shalt  }
0x60: {  	_ =	shalt  }
0x61: {  	_ =	shalt  }
0x62: {  	_ =	shalt  }
0x63: {  	_ =	shalt  }
0x64: {  	_ =	shalt  }
0x65: {  	_ =	shalt  }
0x66: {  	_ =	shalt  }
0x67: {  	_ =	shalt  }
0x68: {  	_ =	shalt  }
0x69: {  	_ =	shalt  }
0x6a: {  	_ =	shalt  }
0x6b: {  	_ =	shalt  }
0x6c: {  	_ =	shalt  }
0x6d: {  	_ =	shalt  }
0x6e: {  	_ =	shalt  }
0x6f: {  	_ =	shalt  }
0x70: {  	_ =	shalt  }
0x71: {  	_ =	shalt  }
0x72: {  	_ =	shalt  }
0x73: {  	_ =	shalt  }
0x74: {  	_ =	shalt  }
0x75: {  	_ =	shalt  }
0x76: {  	_ =	shalt  }
0x77: {  	_ =	shalt  }
0x78: {  	_ =	shalt  }
0x79: {  	_ =	shalt  }
0x7a: {  	_ =	shalt  }
0x7b: {  	_ =	shalt  }
0x7c: {  	_ =	shalt  }
0x7d: {  	_ =	shalt  }
0x7e: {  	_ =	shalt  }
0x7f: {  	_ =	shalt  }
0x80: {  	_ =	shalt  }
0x81: {  	_ =	shalt  }
0x82: {  	_ =	shalt  }
0x83: {  	_ =	shalt  }
0x84: {  	_ =	shalt  }
0x85: {  	_ =	shalt  }
0x86: {  	_ =	shalt  }
0x87: {  	_ =	shalt  }
.Lfunc_end0:
.L_simem_size_0:
called_computation_lowered:
.L_overlay_start_0:
0x88: {  	s2 =	sld [smem:$0x3FD9]  }
0x89: {  	s3 =	sld [smem:$0x3FFE];
	_ =	sdelay $0x1  }
0x8a: {  	s1 =	srdreg.scid  }
0x8b: {  	s0 =	sand.u32 $0x1, s1  }
0x8c: {  	s18 =	sshll.u32 s0, $0xA;
	s2 =	sadd.s32 s3, s2  }
0x8d: {  	s2 =	sadd.s32 s2, s18  }
0x8e: {  	[smem:$0x3FC5] =	sst s2  }
0x8f: {  	_ = 	snop  }
0x90: {  	s2 =	sld [smem:$0x3FC9]  }
0x91: {  	s19 =	sld [smem:$0x3FC8]  }
0x92: {  	s4 =	sld [smem:$0x3FC7]  }
0x93: {  	s5 =	sld [smem:$0x3FD0];
	(tm) =	ssettm $0x1  }
0x94: {  	s6 =	sld [smem:$0x3FFB];
	_ =	sdelay $0x3  }
0x95: {  	_ =	strace s6  }
0x96: {  	s6 =	sld [smem:$0x3FFC];
	_ =	sdelay $0x3  }
0x97: {  	_ =	strace s6  }
0x98: {  	s6 =	sld [smem:$0x3FFD];
	_ =	sdelay $0x3  }
0x99: {  	_ =	strace s6  }
0x9a: {  	_ =	strace $0x8FFFFFFF  }
0x9b: {  	s20 =	sld [smem:$0x3FDB];
	_ =	sdelay $0x1  }
0x9c: {  	s7 =	simm.s32 $_scs_section_size  }
0x9d: {  	s8 =	simm.s32 $_size__tile_overlayer_lowered;
	s9 =	simm.s32 $_tile_overlayer_lowered  }
0x9e: {  	s23 =	simm.s32 $0x1BFF;
	s22 =	sshll.u32 s9, $0x1;
	s6 =	sadd.s32 s7, s20  }
0x9f: {  	s10 =	simm.s32 $0x0;
	s21 =	sshll.u32 s8, $0x1;
	s8 =	sadd.s32 s22, s6  }
0xa0: {  	[timem:s10], [sflag:s23] =	dma.local [hbm:s8], s21  }
0xa1: {  	_ =	swait.ge [sflag:s23], s21  }
0xa2: {  	s7 =	ssub.s32 $0x0, s21;
	[sflag:s23] =	ssyncset.done $0x0  }
0xa3: {  	[sflag:s23] =	ssyncadd.s32 s7;
	_ =	sdelay $0x1  }
0xa4: {  	s24 =	simm.s32 $0x1B8B  }
0xa5: {  	_ =	swait.ge [sflag:s24], $0x1  }
0xa6: {  	[sflag:s24] =	ssyncset.done $0x0  }
0xa7: {  	s25 =	simm.s32 $0x1B8E;
	[sflag:s24] =	ssyncadd.s32 $0xFFFFFFFF  }
0xa8: {  	s26 =	simm.s32 $execute0_lowered;
	[smem:$0x3FD2] =	sst s25  }
0xa9: {  	s7 =	sshll.u32 s26, $0x1;
	_ =	strace $0x80000046;
	[dreg:$0x1] =	wrdreg $0xFFFFFFFF  }
0xaa: {  	s28 =	simm.s32 $_size_execute0_lowered;
	s6 =	sadd.s32 s6, s7;
	[dreg:$0x0] =	wrdreg $0x0  }
0xab: {  	s7 =	sshll.u32 s28, $0x1;
	[dreg:$0x2] =	wrdreg s6  }
0xac: {  	[dreg:$0x3] =	wrdreg s7  }
0xad: {  	[dreg:$0x4] =	wrdreg $0xC0  }
0xae: {  	_ =	task [dreg:s10], $0x5FFFF  }
0xaf: {  	[dreg:$0x1] =	wrdreg $0xFFFFFFFF  }
0xb0: {  	[dreg:$0x0] =	wrdreg $0x60  }
0xb1: {  	[dreg:$0x2] =	wrdreg s2  }
0xb2: {  	[dreg:$0x3] =	wrdreg s19  }
0xb3: {  	[dreg:$0x4] =	wrdreg s4  }
0xb4: {  	[dreg:$0x5] =	wrdreg s5  }
0xb5: {  	[dreg:$0x6] =	wrdreg $0x9  }
0xb6: {  	_ =	task.clear_ibuf [dreg:s10], $0x7FFFF;
	_ =	strace $0x90000046  }
0xb7: {  	s29 =	simm.s32 $0x9;
	_ =	strace $0x80000048  }
0xb8: {  	_ =	swait.ge [sflag:s29], $0x1  }
0xb9: {  	[sflag:s29] =	ssyncadd.s32 $0xFFFFFFFF  }
0xba: {  	_ =	strace $0x90000048  }
0xbb: {  	_ =	sfence  }
0xbc: {  	s30 =	sld [smem:$0x0];
	_ =	sdelay $0x2  }
0xbd: {  	s31 =	sshll.u32 s1, $0xD;
	s1 =	sshrl.u32 s1, $0x2  }
0xbe: {  	s3 =	sand.u32 $0x4000, s31;
	s1 =	sadd.s32 s1, s30  }
0xbf: {  	s0 =	sor.u32 s3, s0;
	s1 =	sshll.u32 s1, $0x11  }
0xc0: {  	s0 =	sor.u32 s1, s0  }
0xc1: {  	s0 =	sadd.s32 $0x8F2B, s0  }
0xc2: {  	[sflag:s0] =	ssyncadd.remote.s32 $0x1  }
0xc3: {  	_ =	sfence.sel $0xFFFF  }
0xc4: {  	[dreg:$0x0] =	wrdreg $0xFFFFFFFF;
	(pc) =	sbr.abs _section_cstart, $3  }
0xc5: {  	[dreg:$0x1] =	wrdreg $0xFFFFFFFF  }
0xc6: {  	_ =	task.clear_ibuf [dreg:s10], $0x2FFFF;
	_ =	strace $0x9FFFFFFF  }
0xc7: {  	(tm) =	ssettm $0x7FFFFFFF  }
tec
execute0_lowered:
.L_overlay_start_1:
0x0: {  	(tag) =	ssettag $0x1  }
0x1: {  	s2 =	rddreg [dreg:$0x0]  }
0x2: {  	s1 =	rddreg [dreg:$0x1]  }
0x3: {  	s0 =	srdreg.scid;
	s12 =	rddreg [dreg:$0x2]  }
0x4: {  	s11 =	stileid.u32;
	s13 =	rddreg [dreg:$0x3];
	s31 =	simm.s32 $0x15000  }
0x5: {  	s0 =	sand.u32 $0x1, s0;
	s3 =	sshll.u32 s11, $0x1;
	s5 =	sshll.u32 s11, $0x3  }
0x6: {  	s29 =	simm.s32 $0x15800;
	s4 =	sor.u32 s0, s3;
	s7 =	sand.u32 $0x40, s5  }
0x7: {  	s5 =	simm.s32 $0x0;
	s3 =	sand.u32 $0xF, s4;
	s7 =	smul.u32 $0x1800, s7  }
0x8: {  	s8 =	ssub.s32 $0x2, s0;
	[smem:$0x7FF] =	sst s5;
	s6 =	smul.u32 $0xC0000, s3  }
0x9: {  	s9 =	sshrl.u32 s8, $0x1;
	s26 =	sshll.u32 s4, $0x5;
	_ =	strace $0x80000047  }
0xa: {  	s6 =	sadd.s32 s7, s6;
	s7 =	ssub.s32 s8, s9;
	s8 =	sshll.u32 s11, $0x6  }
0xb: {  	s14 =	sand.u32 $0x60, s26;
	s6 =	sshrl.u32 s6, $0x3;
	s10 =	sand.u32 $0x380, s8  }
0xc: {  	[dreg:$0x5] =	wrdreg s14;
	s6 =	sadd.s32 s13, s6;
	s2 =	sadd.s32 s2, s10  }
0xd: {  	s20 =	smul.u32 $0xC000, s11;
	[dreg:$0x6] =	wrdreg s2;
	s10 =	sadd.s32 $0x18000, s6  }
0xe: {  	s23 =	smul.u32 $0x6000, s0;
	s15 =	sadd.s32 $0x18C00, s6;
	[dreg:$0x7] =	wrdreg s10  }
0xf: {  	s0 =	sshll.u32 s0, $0x5;
	s16 =	sadd.s32 $0x19800, s6;
	[dreg:$0x8] =	wrdreg s15  }
0x10: {  	s25 =	smul.u32 $0xC00, s4;
	s17 =	sadd.s32 $0x1A400, s6;
	[dreg:$0x9] =	wrdreg s16  }
0x11: {  	v0 =	vmov s3;
	s3 =	simm.s32 $0x16000;
	s18 =	sadd.s32 $0x1B000, s6;
	[dreg:$0xa] =	wrdreg s17  }
0x12: {  	s9 =	simm.s32 $0x18000;
	s19 =	sadd.s32 $0x1BC00, s6;
	[dreg:$0xb] =	wrdreg s18  }
0x13: {  	s0 =	sor.u32 s0, s8;
	s21 =	sadd.s32 $0x1C800, s6;
	[dreg:$0xc] =	wrdreg s19  }
0x14: {  	s8 =	simm.s32 $0x17000;
	s22 =	sadd.s32 $0x1D400, s6;
	[dreg:$0xd] =	wrdreg s21  }
0x15: {  	s0 =	sand.u32 $0x60, s0;
	s24 =	sadd.s32 $0x1E000, s6;
	[dreg:$0xe] =	wrdreg s22  }
0x16: {  	s2 =	sadd.s32 s23, s20;
	s26 =	sadd.s32 $0x1EC00, s6;
	[dreg:$0xf] =	wrdreg s24  }
0x17: {  	s11 =	sadd.s32 $0x1F800, s6;
	s0 =	sor.u32 $0x290, s0;
	[dreg:$0x10] =	wrdreg s26  }
0x18: {  	s23 =	sor.u32 $0x10, s14;
	s14 =	simm.s32 $0x1;
	[dreg:$0x11] =	wrdreg s11  }
0x19: {  	s15 =	sadd.s32 s25, s13;
	s16 =	sadd.s32 $0x20400, s6;
	s17 =	sadd.s32 $0x21000, s6  }
0x1a: {  	s18 =	sadd.s32 $0x21C00, s6;
	s19 =	sadd.s32 $0x22800, s6;
	[dreg:$0x19] =	wrdreg s0  }
0x1b: {  	s6 =	sadd.s32 $0x23400, s6;
	s24 =	smul.u32 $0x6000, s4;
	[dreg:$0x1a] =	wrdreg s23  }
0x1c: {  	s21 =	smax.u32 s7, $0x1;
	s22 =	sadd.s32 $0xCC0000, s2;
	[dreg:$0x12] =	wrdreg s16  }
0x1d: {  	s2 =	sadd.s32 $0xD80000, s2;
	s0 =	sadd.s32 $0x200, s1;
	[dreg:$0x13] =	wrdreg s17  }
0x1e: {  	s25 =	sadd.s32 $0x100, s12;
	s26 =	sadd.s32 $0x200, s12;
	[dreg:$0x14] =	wrdreg s18  }
0x1f: {  	s10 =	simm.s32 $0x5;
	s11 =	simm.s32 $0x8000;
	[dreg:$0x15] =	wrdreg s19  }
0x20: {  	v1 =	vshrl.u32 v0, $0x3;
	s23 =	simm.s32 $0xE000;
	s7 =	simm.s32 $0x16800;
	[dreg:$0x16] =	wrdreg s6  }
0x21: {  	v1 =	vmul.u32 $0x30, v1;
	s12 =	simm.s32 $0x19000;
	s20 =	sadd.s32 $0x720000, s15;
	[dreg:$0x18] =	wrdreg s21  }
0x22: {  	v0 =	vand.u32 $0x7, v0;
	s4 =	sshrl.u32 s22, $0x3;
	s2 =	sshrl.u32 s2, $0x3;
	[dreg:$0x1b] =	wrdreg s25  }
.Ltmp0:
0x23: {  	v3 =	vor.u32 v0, v1;
	v1 =	vlaneseq.u32;
	[dreg:$0x1c] =	wrdreg s26;
	s22 =	simm.s32 $0xD800;
	(pc) =	sbr.rel .LBB2_1-.Ltmp0, $4  }
0x24: {  	v0 =	vand.u32 $0x7, v1;
	v2 =	vshrl.u32 v1, $0x3;
	v1 =	vor.u32 $0x8, v1;
	s25 =	simm.s32 $0x14000;
	s26 =	simm.s32 $0x14800;
	s6 =	simm.s32 $0x17800  }
0x25: {  	v2 =	vmul.u32 $0x8, v2;
	v4 =	vperm.xlane v3, v0;
	v5 =	vperm.xlane v3, v1;
	s15 =	simm.s32 $0x2;
	s16 =	simm.s32 $0x3;
	s18 =	simm.s32 $0x0  }
0x26: {  	[dreg:$0x17] =	wrdreg s20;
	s28 =	sadd.s32 s4, s13;
	s30 =	sadd.s32 s2, s13  }
0x27: {  	vm0 =	vmmov $0xffff;
	s2 =	sadd.s32 $0x100, s1;
	s4 =	simm.s32 $0x18800;
	s13 =	simm.s32 $0x19800;
	v3 =	vadd.s32 v2, v4;
	v4 =	vadd.s32 v2, v5  }
.LBB2_4:
0x28: {  	_ =	swait.ge [sflag:s14], $0x6000  }
0x29: {  	[sflag:s14] =	ssyncset.done $0x0  }
0x2a: {  	s17 =	rddreg [dreg:$0x17];
	[sflag:s14] =	ssyncadd.s32 $0xFFFFA000  }
0x2b: {  	[hbm4b:s17+s5] =	stream.linear.scatter [tilespmem:s11], [sflag:$0x5], $0x6000, $0x38;
	[tilespmem:$0x1A000] =	vst v63  }
0x2c: {  	_ =	swait.ge [sflag:s10], $0x6000  }
0x2d: {  	s18 =	rddreg [dreg:$0x1d]  }
0x2e: {  	s21 =	rddreg [dreg:$0x18];
	s18 =	sadd.s32 $0x1, s18  }
0x2f: {  	p0 =	sne.s32 s18, s21  }
.Ltmp1:
0x30: {  	_ = 	snop;
	(pc) =	sbr.rel @!p0 .LBB2_5-.Ltmp1, $3  }
0x31: {  	_ =	sdelay $0x1  }
0x32: {  	[sflag:s10] =	ssyncset.done $0x0  }
0x33: {  	[sflag:s10] =	ssyncadd.s32 $0xFFFFA000  }
.LBB2_1:
0x34: {  	[dreg:$0x1d] =	wrdreg s18  }
0x35: {  	s17 =	rddreg [dreg:$0x6];
	s19 =	simm.s32 $0x400;
	s20 =	simm.s32 $0x2000  }
0x36: {  	[tilespmem:s5], [sflag:$0x5] =	stream.strided.gather [hbm4b:s17+s19], $0x2000, s20, s19, $0x38;
	[tilespmem:$0x1A000] =	vst v63  }
0x37: {  	_ =	swait.ge [sflag:s10], $0x2000  }
0x38: {  	[sflag:s10] =	ssyncset.done $0x0  }
0x39: {  	s17 =	rddreg [dreg:$0x5];
	[sflag:s10] =	ssyncadd.s32 $0xFFFFE000  }
0x3a: {  	v5 =	vld [tilespmem:s17+$0x0];
	_ =	sdelay $0x4  }
0x3b: {  	v6 =	vshrl.u32 v5, $0x3  }
0x3c: {  	v6 =	vmul.u32 $0x30, v6  }
0x3d: {  	v5 =	vand.u32 $0x7, v5  }
0x3e: {  	v5 =	vor.u32 v5, v6  }
0x3f: {  	v6 =	vperm.xlane v5, v0;
	_ =	sdelay $0x1  }
0x40: {  	s21 =	rddreg [dreg:$0x1a];
	v6 =	vadd.s32 v2, v6  }
0x41: {  	v7 =	vld [tilespmem:s21+$0x0];
	_ =	sdelay $0x2  }
0x42: {  	v5 =	vperm.xlane v5, v1  }
0x43: {  	[tilespmem:s11], [sflag:$0x1] =	stream.indirect_vreg.gather [hbm4b:s1+s5], $0x80, v6, vm0, $0xb8;
	[tilespmem:$0x1A000] =	vst v63  }
0x44: {  	s19 =	simm.s32 $0x8800;
	v8 =	vshrl.u32 v7, $0x3;
	v5 =	vadd.s32 v2, v5  }
0x45: {  	v8 =	vmul.u32 $0x30, v8;
	[tilespmem:s19], [sflag:$0x1] =	stream.indirect_vreg.gather [hbm4b:s2+s5], $0x80, v6, vm0, $0xb8;
	[tilespmem:$0x1A000] =	vst v63  }
0x46: {  	s21 =	simm.s32 $0x9000;
	v7 =	vand.u32 $0x7, v7  }
0x47: {  	[tilespmem:s21], [sflag:$0x1] =	stream.indirect_vreg.gather [hbm4b:s0+s5], $0x80, v6, vm0, $0xb8;
	v6 =	vor.u32 v7, v8;
	[tilespmem:$0x1A000] =	vst v63  }
0x48: {  	s19 =	simm.s32 $0x9800;
	v7 =	vperm.xlane v6, v0  }
0x49: {  	[tilespmem:s19], [sflag:$0x1] =	stream.indirect_vreg.gather [hbm4b:s1+s5], $0x80, v5, vm0, $0xb8;
	[tilespmem:$0x1A000] =	vst v63  }
0x4a: {  	s21 =	simm.s32 $0xA000;
	v7 =	vadd.s32 v2, v7  }
0x4b: {  	[tilespmem:s21], [sflag:$0x1] =	stream.indirect_vreg.gather [hbm4b:s2+s5], $0x80, v5, vm0, $0xb8;
	[tilespmem:$0x1A000] =	vst v63  }
0x4c: {  	s19 =	simm.s32 $0xA800  }
0x4d: {  	[tilespmem:s19], [sflag:$0x1] =	stream.indirect_vreg.gather [hbm4b:s0+s5], $0x80, v5, vm0, $0xb8;
	[tilespmem:$0x1A000] =	vst v63  }
0x4e: {  	s21 =	simm.s32 $0xB000;
	v5 =	vperm.xlane v6, v1  }
0x4f: {  	[tilespmem:s21], [sflag:$0x1] =	stream.indirect_vreg.gather [hbm4b:s1+s5], $0x80, v7, vm0, $0xb8;
	[tilespmem:$0x1A000] =	vst v63  }
0x50: {  	s19 =	simm.s32 $0xB800;
	v5 =	vadd.s32 v2, v5  }
0x51: {  	[tilespmem:s19], [sflag:$0x1] =	stream.indirect_vreg.gather [hbm4b:s2+s5], $0x80, v7, vm0, $0xb8;
	[tilespmem:$0x1A000] =	vst v63  }
0x52: {  	s21 =	simm.s32 $0xC000  }
0x53: {  	[tilespmem:s21], [sflag:$0x1] =	stream.indirect_vreg.gather [hbm4b:s0+s5], $0x80, v7, vm0, $0xb8;
	[tilespmem:$0x1A000] =	vst v63  }
0x54: {  	s19 =	simm.s32 $0xC800  }
0x55: {  	[tilespmem:s19], [sflag:$0x1] =	stream.indirect_vreg.gather [hbm4b:s1+s5], $0x80, v5, vm0, $0xb8;
	[tilespmem:$0x1A000] =	vst v63  }
0x56: {  	s21 =	simm.s32 $0xD000  }
0x57: {  	[tilespmem:s21], [sflag:$0x1] =	stream.indirect_vreg.gather [hbm4b:s2+s5], $0x80, v5, vm0, $0xb8;
	[tilespmem:$0x1A000] =	vst v63  }
0x58: {  	_ = 	snop  }
0x59: {  	[tilespmem:s22], [sflag:$0x1] =	stream.indirect_vreg.gather [hbm4b:s0+s5], $0x80, v5, vm0, $0xb8;
	[tilespmem:$0x1A000] =	vst v63  }
0x5a: {  	v5 =	vld [tilespmem:s17+$0x80];
	_ =	sdelay $0x4  }
0x5b: {  	v6 =	vshrl.u32 v5, $0x3  }
0x5c: {  	v6 =	vmul.u32 $0x30, v6  }
0x5d: {  	v5 =	vand.u32 $0x7, v5  }
0x5e: {  	v5 =	vor.u32 v5, v6  }
0x5f: {  	v6 =	vperm.xlane v5, v0;
	_ =	sdelay $0x1  }
0x60: {  	v6 =	vadd.s32 v2, v6  }
0x61: {  	v7 =	vld [tilespmem:s17+$0x90];
	_ =	sdelay $0x2  }
0x62: {  	v5 =	vperm.xlane v5, v1  }
0x63: {  	[tilespmem:s23], [sflag:$0x2] =	stream.indirect_vreg.gather [hbm4b:s1+s5], $0x80, v6, vm0, $0xb8;
	[tilespmem:$0x1A000] =	vst v63  }
0x64: {  	s19 =	simm.s32 $0xE800;
	v62 =	vshrl.u32 v7, $0x3;
	v5 =	vadd.s32 v2, v5  }
0x65: {  	v8 =	vmul.u32 $0x30, v62;
	[tilespmem:s19], [sflag:$0x2] =	stream.indirect_vreg.gather [hbm4b:s2+s5], $0x80, v6, vm0, $0xb8;
	[tilespmem:$0x1A000] =	vst v63  }
0x66: {  	s21 =	simm.s32 $0xF000;
	v7 =	vand.u32 $0x7, v7  }
0x67: {  	[tilespmem:s21], [sflag:$0x2] =	stream.indirect_vreg.gather [hbm4b:s0+s5], $0x80, v6, vm0, $0xb8;
	v6 =	vor.u32 v7, v8;
	[tilespmem:$0x1A000] =	vst v63  }
0x68: {  	s19 =	simm.s32 $0xF800;
	v7 =	vperm.xlane v6, v0  }
0x69: {  	[tilespmem:s19], [sflag:$0x2] =	stream.indirect_vreg.gather [hbm4b:s1+s5], $0x80, v5, vm0, $0xb8;
	[tilespmem:$0x1A000] =	vst v63  }
0x6a: {  	s21 =	simm.s32 $0x10000;
	v7 =	vadd.s32 v2, v7  }
0x6b: {  	[tilespmem:s21], [sflag:$0x2] =	stream.indirect_vreg.gather [hbm4b:s2+s5], $0x80, v5, vm0, $0xb8;
	[tilespmem:$0x1A000] =	vst v63  }
0x6c: {  	s19 =	simm.s32 $0x10800  }
0x6d: {  	[tilespmem:s19], [sflag:$0x2] =	stream.indirect_vreg.gather [hbm4b:s0+s5], $0x80, v5, vm0, $0xb8;
	[tilespmem:$0x1A000] =	vst v63  }
0x6e: {  	s21 =	simm.s32 $0x11000;
	v5 =	vperm.xlane v6, v1  }
0x6f: {  	[tilespmem:s21], [sflag:$0x2] =	stream.indirect_vreg.gather [hbm4b:s1+s5], $0x80, v7, vm0, $0xb8;
	[tilespmem:$0x1A000] =	vst v63  }
0x70: {  	s19 =	simm.s32 $0x11800;
	v5 =	vadd.s32 v2, v5  }
0x71: {  	[tilespmem:s19], [sflag:$0x2] =	stream.indirect_vreg.gather [hbm4b:s2+s5], $0x80, v7, vm0, $0xb8;
	[tilespmem:$0x1A000] =	vst v63  }
0x72: {  	s21 =	simm.s32 $0x12000  }
0x73: {  	[tilespmem:s21], [sflag:$0x2] =	stream.indirect_vreg.gather [hbm4b:s0+s5], $0x80, v7, vm0, $0xb8;
	[tilespmem:$0x1A000] =	vst v63  }
0x74: {  	s19 =	simm.s32 $0x12800  }
0x75: {  	[tilespmem:s19], [sflag:$0x2] =	stream.indirect_vreg.gather [hbm4b:s1+s5], $0x80, v5, vm0, $0xb8;
	[tilespmem:$0x1A000] =	vst v63  }
0x76: {  	s21 =	simm.s32 $0x13000  }
0x77: {  	[tilespmem:s21], [sflag:$0x2] =	stream.indirect_vreg.gather [hbm4b:s2+s5], $0x80, v5, vm0, $0xb8;
	[tilespmem:$0x1A000] =	vst v63  }
0x78: {  	s19 =	simm.s32 $0x13800  }
0x79: {  	[tilespmem:s19], [sflag:$0x2] =	stream.indirect_vreg.gather [hbm4b:s0+s5], $0x80, v5, vm0, $0xb8;
	[tilespmem:$0x1A000] =	vst v63  }
0x7a: {  	v5 =	vld [tilespmem:s17+$0x100];
	_ =	sdelay $0x4  }
0x7b: {  	v6 =	vshrl.u32 v5, $0x3  }
0x7c: {  	v6 =	vmul.u32 $0x30, v6  }
0x7d: {  	v5 =	vand.u32 $0x7, v5  }
0x7e: {  	v5 =	vor.u32 v5, v6  }
0x7f: {  	v6 =	vperm.xlane v5, v0;
	_ =	sdelay $0x1  }
0x80: {  	v6 =	vadd.s32 v2, v6  }
0x81: {  	v7 =	vld [tilespmem:s17+$0x110];
	_ =	sdelay $0x2  }
0x82: {  	v5 =	vperm.xlane v5, v1  }
0x83: {  	[tilespmem:s25], [sflag:$0x3] =	stream.indirect_vreg.gather [hbm4b:s1+s5], $0x80, v6, vm0, $0xb8;
	[tilespmem:$0x1A000] =	vst v63  }
0x84: {  	v63 =	vshrl.u32 v7, $0x3;
	v5 =	vadd.s32 v2, v5  }
0x85: {  	v8 =	vmul.u32 $0x30, v63;
	[tilespmem:s26], [sflag:$0x3] =	stream.indirect_vreg.gather [hbm4b:s2+s5], $0x80, v6, vm0, $0xb8;
	[tilespmem:$0x1A000] =	vst v63  }
0x86: {  	v7 =	vand.u32 $0x7, v7  }
0x87: {  	[tilespmem:s31], [sflag:$0x3] =	stream.indirect_vreg.gather [hbm4b:s0+s5], $0x80, v6, vm0, $0xb8;
	v6 =	vor.u32 v7, v8;
	[tilespmem:$0x1A000] =	vst v63  }
0x88: {  	v7 =	vperm.xlane v6, v0  }
0x89: {  	[tilespmem:s29], [sflag:$0x3] =	stream.indirect_vreg.gather [hbm4b:s1+s5], $0x80, v5, vm0, $0xb8;
	[tilespmem:$0x1A000] =	vst v63  }
0x8a: {  	v7 =	vadd.s32 v2, v7  }
0x8b: {  	[tilespmem:s3], [sflag:$0x3] =	stream.indirect_vreg.gather [hbm4b:s2+s5], $0x80, v5, vm0, $0xb8;
	[tilespmem:$0x1A000] =	vst v63  }
0x8c: {  	_ = 	snop  }
0x8d: {  	[tilespmem:s7], [sflag:$0x3] =	stream.indirect_vreg.gather [hbm4b:s0+s5], $0x80, v5, vm0, $0xb8;
	[tilespmem:$0x1A000] =	vst v63  }
0x8e: {  	v5 =	vperm.xlane v6, v1  }
0x8f: {  	[tilespmem:s8], [sflag:$0x3] =	stream.indirect_vreg.gather [hbm4b:s1+s5], $0x80, v7, vm0, $0xb8;
	[tilespmem:$0x1A000] =	vst v63  }
0x90: {  	v5 =	vadd.s32 v2, v5  }
0x91: {  	[tilespmem:s6], [sflag:$0x3] =	stream.indirect_vreg.gather [hbm4b:s2+s5], $0x80, v7, vm0, $0xb8;
	[tilespmem:$0x1A000] =	vst v63  }
0x92: {  	_ = 	snop  }
0x93: {  	[tilespmem:s9], [sflag:$0x3] =	stream.indirect_vreg.gather [hbm4b:s0+s5], $0x80, v7, vm0, $0xb8;
	[tilespmem:$0x1A000] =	vst v63  }
0x94: {  	_ = 	snop  }
0x95: {  	[tilespmem:s4], [sflag:$0x3] =	stream.indirect_vreg.gather [hbm4b:s1+s5], $0x80, v5, vm0, $0xb8;
	[tilespmem:$0x1A000] =	vst v63  }
0x96: {  	_ = 	snop  }
0x97: {  	[tilespmem:s12], [sflag:$0x3] =	stream.indirect_vreg.gather [hbm4b:s2+s5], $0x80, v5, vm0, $0xb8;
	[tilespmem:$0x1A000] =	vst v63  }
0x98: {  	_ = 	snop  }
0x99: {  	[tilespmem:s13], [sflag:$0x3] =	stream.indirect_vreg.gather [hbm4b:s0+s5], $0x80, v5, vm0, $0xb8;
	[tilespmem:$0x1A000] =	vst v63  }
0x9a: {  	s17 =	rddreg [dreg:$0x2]  }
0x9b: {  	[tilespmem:s20], [sflag:$0x4] =	stream.indirect_vreg.gather [hbm4b:s17+s5], $0x80, v3, vm0, $0xb8;
	[tilespmem:$0x1A000] =	vst v63  }
0x9c: {  	s18 =	rddreg [dreg:$0x1b];
	s19 =	simm.s32 $0x2800  }
0x9d: {  	[tilespmem:s19], [sflag:$0x4] =	stream.indirect_vreg.gather [hbm4b:s18+s5], $0x80, v3, vm0, $0xb8;
	[tilespmem:$0x1A000] =	vst v63  }
0x9e: {  	s21 =	simm.s32 $0x3000;
	s19 =	rddreg [dreg:$0x1c]  }
0x9f: {  	[tilespmem:s21], [sflag:$0x4] =	stream.indirect_vreg.gather [hbm4b:s19+s5], $0x80, v3, vm0, $0xb8;
	[tilespmem:$0x1A000] =	vst v63  }
0xa0: {  	s21 =	simm.s32 $0x3800  }
0xa1: {  	[tilespmem:s21], [sflag:$0x4] =	stream.indirect_vreg.gather [hbm4b:s17+s5], $0x80, v4, vm0, $0xb8;
	[tilespmem:$0x1A000] =	vst v63  }
0xa2: {  	s21 =	simm.s32 $0x4000  }
0xa3: {  	[tilespmem:s21], [sflag:$0x4] =	stream.indirect_vreg.gather [hbm4b:s18+s5], $0x80, v4, vm0, $0xb8;
	[tilespmem:$0x1A000] =	vst v63  }
0xa4: {  	s21 =	simm.s32 $0x4800  }
0xa5: {  	[tilespmem:s21], [sflag:$0x4] =	stream.indirect_vreg.gather [hbm4b:s19+s5], $0x80, v4, vm0, $0xb8;
	[tilespmem:$0x1A000] =	vst v63  }
0xa6: {  	s21 =	simm.s32 $0x5000  }
0xa7: {  	[tilespmem:s21], [sflag:$0x4] =	stream.indirect_vreg.gather [hbm4b:s17+s5], $0x80, v3, vm0, $0xb8;
	[tilespmem:$0x1A000] =	vst v63  }
0xa8: {  	s21 =	simm.s32 $0x5800  }
0xa9: {  	[tilespmem:s21], [sflag:$0x4] =	stream.indirect_vreg.gather [hbm4b:s18+s5], $0x80, v3, vm0, $0xb8;
	[tilespmem:$0x1A000] =	vst v63  }
0xaa: {  	s21 =	simm.s32 $0x6000  }
0xab: {  	[tilespmem:s21], [sflag:$0x4] =	stream.indirect_vreg.gather [hbm4b:s19+s5], $0x80, v3, vm0, $0xb8;
	[tilespmem:$0x1A000] =	vst v63  }
0xac: {  	s21 =	simm.s32 $0x6800  }
0xad: {  	[tilespmem:s21], [sflag:$0x4] =	stream.indirect_vreg.gather [hbm4b:s17+s5], $0x80, v4, vm0, $0xb8;
	[tilespmem:$0x1A000] =	vst v63  }
0xae: {  	s21 =	simm.s32 $0x7000  }
0xaf: {  	[tilespmem:s21], [sflag:$0x4] =	stream.indirect_vreg.gather [hbm4b:s18+s5], $0x80, v4, vm0, $0xb8;
	[tilespmem:$0x1A000] =	vst v63  }
0xb0: {  	s18 =	simm.s32 $0x7800  }
0xb1: {  	[tilespmem:s18], [sflag:$0x4] =	stream.indirect_vreg.gather [hbm4b:s19+s5], $0x80, v4, vm0, $0xb8;
	[tilespmem:$0x1A000] =	vst v63  }
0xb2: {  	s19 =	simm.s32 $0x4  }
0xb3: {  	_ =	swait.ge [sflag:s19], $0x6000  }
0xb4: {  	[sflag:s19] =	ssyncset.done $0x0  }
0xb5: {  	s21 =	rddreg [dreg:$0x7];
	[sflag:s19] =	ssyncadd.s32 $0xFFFFA000  }
0xb6: {  	[hbm4b:s21+s5] =	stream.linear.scatter [tilespmem:s20], [sflag:$0x5], $0x6000, $0x38;
	[tilespmem:$0x1A000] =	vst v63  }
0xb7: {  	_ =	swait.ge [sflag:s10], $0x6000  }
0xb8: {  	[sflag:s10] =	ssyncset.done $0x0  }
0xb9: {  	s18 =	rddreg [dreg:$0x8];
	[sflag:s10] =	ssyncadd.s32 $0xFFFFA000  }
0xba: {  	[hbm4b:s18+s5] =	stream.linear.scatter [tilespmem:s20], [sflag:$0x5], $0x6000, $0x38;
	[tilespmem:$0x1A000] =	vst v63  }
0xbb: {  	_ =	swait.ge [sflag:s10], $0x6000  }
0xbc: {  	[sflag:s10] =	ssyncset.done $0x0  }
0xbd: {  	s19 =	rddreg [dreg:$0x9];
	[sflag:s10] =	ssyncadd.s32 $0xFFFFA000  }
0xbe: {  	[hbm4b:s19+s5] =	stream.linear.scatter [tilespmem:s20], [sflag:$0x5], $0x6000, $0x38;
	[tilespmem:$0x1A000] =	vst v63  }
0xbf: {  	_ =	swait.ge [sflag:s10], $0x6000  }
0xc0: {  	[sflag:s10] =	ssyncset.done $0x0  }
0xc1: {  	s21 =	rddreg [dreg:$0xa];
	[sflag:s10] =	ssyncadd.s32 $0xFFFFA000  }
0xc2: {  	[hbm4b:s21+s5] =	stream.linear.scatter [tilespmem:s20], [sflag:$0x5], $0x6000, $0x38;
	[tilespmem:$0x1A000] =	vst v63  }
0xc3: {  	_ =	swait.ge [sflag:s10], $0x6000  }
0xc4: {  	[sflag:s10] =	ssyncset.done $0x0  }
0xc5: {  	s18 =	rddreg [dreg:$0xb];
	[sflag:s10] =	ssyncadd.s32 $0xFFFFA000  }
0xc6: {  	[hbm4b:s18+s5] =	stream.linear.scatter [tilespmem:s20], [sflag:$0x5], $0x6000, $0x38;
	[tilespmem:$0x1A000] =	vst v63  }
0xc7: {  	_ =	swait.ge [sflag:s10], $0x6000  }
0xc8: {  	[sflag:s10] =	ssyncset.done $0x0  }
0xc9: {  	s19 =	rddreg [dreg:$0xc];
	[sflag:s10] =	ssyncadd.s32 $0xFFFFA000  }
0xca: {  	[hbm4b:s19+s5] =	stream.linear.scatter [tilespmem:s20], [sflag:$0x5], $0x6000, $0x38;
	[tilespmem:$0x1A000] =	vst v63  }
0xcb: {  	_ =	swait.ge [sflag:s10], $0x6000  }
0xcc: {  	[sflag:s10] =	ssyncset.done $0x0  }
0xcd: {  	s21 =	rddreg [dreg:$0xd];
	[sflag:s10] =	ssyncadd.s32 $0xFFFFA000  }
0xce: {  	[hbm4b:s21+s5] =	stream.linear.scatter [tilespmem:s20], [sflag:$0x5], $0x6000, $0x38;
	[tilespmem:$0x1A000] =	vst v63  }
0xcf: {  	_ =	swait.ge [sflag:s10], $0x6000  }
0xd0: {  	[sflag:s10] =	ssyncset.done $0x0  }
0xd1: {  	s18 =	rddreg [dreg:$0xe];
	[sflag:s10] =	ssyncadd.s32 $0xFFFFA000  }
0xd2: {  	[hbm4b:s18+s5] =	stream.linear.scatter [tilespmem:s20], [sflag:$0x5], $0x6000, $0x38;
	[tilespmem:$0x1A000] =	vst v63  }
0xd3: {  	_ =	swait.ge [sflag:s10], $0x6000  }
0xd4: {  	[sflag:s10] =	ssyncset.done $0x0  }
0xd5: {  	s19 =	rddreg [dreg:$0xf];
	[sflag:s10] =	ssyncadd.s32 $0xFFFFA000  }
0xd6: {  	[hbm4b:s19+s5] =	stream.linear.scatter [tilespmem:s20], [sflag:$0x5], $0x6000, $0x38;
	[tilespmem:$0x1A000] =	vst v63  }
0xd7: {  	_ =	swait.ge [sflag:s10], $0x6000  }
0xd8: {  	[sflag:s10] =	ssyncset.done $0x0  }
0xd9: {  	s21 =	rddreg [dreg:$0x10];
	[sflag:s10] =	ssyncadd.s32 $0xFFFFA000  }
0xda: {  	[hbm4b:s21+s5] =	stream.linear.scatter [tilespmem:s20], [sflag:$0x5], $0x6000, $0x38;
	[tilespmem:$0x1A000] =	vst v63  }
0xdb: {  	_ =	swait.ge [sflag:s10], $0x6000  }
0xdc: {  	[sflag:s10] =	ssyncset.done $0x0  }
0xdd: {  	s18 =	rddreg [dreg:$0x11];
	[sflag:s10] =	ssyncadd.s32 $0xFFFFA000  }
0xde: {  	[hbm4b:s18+s5] =	stream.linear.scatter [tilespmem:s20], [sflag:$0x5], $0x6000, $0x38;
	[tilespmem:$0x1A000] =	vst v63  }
0xdf: {  	_ =	swait.ge [sflag:s10], $0x6000  }
0xe0: {  	[sflag:s10] =	ssyncset.done $0x0  }
0xe1: {  	s19 =	rddreg [dreg:$0x12];
	[sflag:s10] =	ssyncadd.s32 $0xFFFFA000  }
0xe2: {  	[hbm4b:s19+s5] =	stream.linear.scatter [tilespmem:s20], [sflag:$0x5], $0x6000, $0x38;
	[tilespmem:$0x1A000] =	vst v63  }
0xe3: {  	_ =	swait.ge [sflag:s10], $0x6000  }
0xe4: {  	[sflag:s10] =	ssyncset.done $0x0  }
0xe5: {  	s21 =	rddreg [dreg:$0x13];
	[sflag:s10] =	ssyncadd.s32 $0xFFFFA000  }
0xe6: {  	[hbm4b:s21+s5] =	stream.linear.scatter [tilespmem:s20], [sflag:$0x5], $0x6000, $0x38;
	[tilespmem:$0x1A000] =	vst v63  }
0xe7: {  	_ =	swait.ge [sflag:s10], $0x6000  }
0xe8: {  	[sflag:s10] =	ssyncset.done $0x0  }
0xe9: {  	s18 =	rddreg [dreg:$0x14];
	[sflag:s10] =	ssyncadd.s32 $0xFFFFA000  }
0xea: {  	[hbm4b:s18+s5] =	stream.linear.scatter [tilespmem:s20], [sflag:$0x5], $0x6000, $0x38;
	[tilespmem:$0x1A000] =	vst v63  }
0xeb: {  	_ =	swait.ge [sflag:s10], $0x6000  }
0xec: {  	[sflag:s10] =	ssyncset.done $0x0  }
0xed: {  	s19 =	rddreg [dreg:$0x15];
	[sflag:s10] =	ssyncadd.s32 $0xFFFFA000  }
0xee: {  	[hbm4b:s19+s5] =	stream.linear.scatter [tilespmem:s20], [sflag:$0x5], $0x6000, $0x38;
	[tilespmem:$0x1A000] =	vst v63  }
0xef: {  	_ =	swait.ge [sflag:s10], $0x6000  }
0xf0: {  	[sflag:s10] =	ssyncset.done $0x0  }
0xf1: {  	s21 =	rddreg [dreg:$0x16];
	[sflag:s10] =	ssyncadd.s32 $0xFFFFA000  }
0xf2: {  	[hbm4b:s21+s5] =	stream.linear.scatter [tilespmem:s20], [sflag:$0x5], $0x6000, $0x38;
	[tilespmem:$0x1A000] =	vst v63  }
0xf3: {  	_ =	swait.ge [sflag:s10], $0x6000  }
0xf4: {  	s19 =	simm.s32 $0x0;
	[sflag:s10] =	ssyncset.done $0x0  }
0xf5: {  	s20 =	simm.s32 $0xC00000;
	s18 =	rddreg [dreg:$0x19];
	[sflag:s10] =	ssyncadd.s32 $0xFFFFA000  }
.LBB2_2:
0xf6: {  	p0 =	seq.s32 s19, $0x0;
	s17 =	smov.u32 s20;
	_ =	swait.ge [sflag:s14], $0x6000  }
0xf7: {  	s17 =	simm.s32 @p0 $0x0;
	[sflag:s14] =	ssyncset.done $0x0  }
0xf8: {  	s17 =	sadd.s32 s24, s17;
	[sflag:s14] =	ssyncadd.s32 $0xFFFFA000  }
0xf9: {  	s17 =	sshrl.u32 s17, $0x3;
	s21 =	rddreg [dreg:$0x3]  }
0xfa: {  	s17 =	sadd.s32 s21, s17  }
0xfb: {  	[hbm4b:s17+s5] =	stream.linear.scatter [tilespmem:s11], [sflag:$0x5], $0x6000, $0x38;
	[tilespmem:$0x1A000] =	vst v63  }
0xfc: {  	_ =	swait.ge [sflag:s10], $0x6000  }
0xfd: {  	[sflag:s10] =	ssyncset.done $0x0  }
0xfe: {  	[sflag:s10] =	ssyncadd.s32 $0xFFFFA000  }
0xff: {  	v5 =	vld [tilespmem:s18+$0xFFFFFEF0];
	_ =	sdelay $0x4  }
0x100: {  	v6 =	vshrl.u32 v5, $0x3  }
0x101: {  	v6 =	vmul.u32 $0x30, v6  }
0x102: {  	v5 =	vand.u32 $0x7, v5  }
0x103: {  	v5 =	vor.u32 v5, v6  }
0x104: {  	v6 =	vperm.xlane v5, v0;
	_ =	sdelay $0x1  }
0x105: {  	v6 =	vadd.s32 v2, v6  }
0x106: {  	v7 =	vld [tilespmem:s18+$0xFFFFFF00];
	_ =	sdelay $0x2  }
0x107: {  	v5 =	vperm.xlane v5, v1  }
0x108: {  	[tilespmem:s11], [sflag:$0x1] =	stream.indirect_vreg.gather [hbm4b:s1+s5], $0x80, v6, vm0, $0xb8;
	[tilespmem:$0x1A000] =	vst v63  }
0x109: {  	s21 =	simm.s32 $0x8800;
	v8 =	vshrl.u32 v7, $0x3;
	v5 =	vadd.s32 v2, v5  }
0x10a: {  	v8 =	vmul.u32 $0x30, v8;
	[tilespmem:s21], [sflag:$0x1] =	stream.indirect_vreg.gather [hbm4b:s2+s5], $0x80, v6, vm0, $0xb8;
	[tilespmem:$0x1A000] =	vst v63  }
0x10b: {  	v7 =	vand.u32 $0x7, v7;
	s21 =	simm.s32 $0x9000  }
0x10c: {  	[tilespmem:s21], [sflag:$0x1] =	stream.indirect_vreg.gather [hbm4b:s0+s5], $0x80, v6, vm0, $0xb8;
	v6 =	vor.u32 v7, v8;
	[tilespmem:$0x1A000] =	vst v63  }
0x10d: {  	s21 =	simm.s32 $0x9800;
	v7 =	vperm.xlane v6, v0  }
0x10e: {  	[tilespmem:s21], [sflag:$0x1] =	stream.indirect_vreg.gather [hbm4b:s1+s5], $0x80, v5, vm0, $0xb8;
	[tilespmem:$0x1A000] =	vst v63  }
0x10f: {  	s21 =	simm.s32 $0xA000;
	v7 =	vadd.s32 v2, v7  }
0x110: {  	[tilespmem:s21], [sflag:$0x1] =	stream.indirect_vreg.gather [hbm4b:s2+s5], $0x80, v5, vm0, $0xb8;
	[tilespmem:$0x1A000] =	vst v63  }
0x111: {  	s21 =	simm.s32 $0xA800  }
0x112: {  	[tilespmem:s21], [sflag:$0x1] =	stream.indirect_vreg.gather [hbm4b:s0+s5], $0x80, v5, vm0, $0xb8;
	[tilespmem:$0x1A000] =	vst v63  }
0x113: {  	v5 =	vperm.xlane v6, v1;
	s21 =	simm.s32 $0xB000  }
0x114: {  	[tilespmem:s21], [sflag:$0x1] =	stream.indirect_vreg.gather [hbm4b:s1+s5], $0x80, v7, vm0, $0xb8;
	[tilespmem:$0x1A000] =	vst v63  }
0x115: {  	v5 =	vadd.s32 v2, v5;
	s21 =	simm.s32 $0xB800  }
0x116: {  	[tilespmem:s21], [sflag:$0x1] =	stream.indirect_vreg.gather [hbm4b:s2+s5], $0x80, v7, vm0, $0xb8;
	[tilespmem:$0x1A000] =	vst v63  }
0x117: {  	s21 =	simm.s32 $0xC000  }
0x118: {  	[tilespmem:s21], [sflag:$0x1] =	stream.indirect_vreg.gather [hbm4b:s0+s5], $0x80, v7, vm0, $0xb8;
	[tilespmem:$0x1A000] =	vst v63  }
0x119: {  	s21 =	simm.s32 $0xC800  }
0x11a: {  	[tilespmem:s21], [sflag:$0x1] =	stream.indirect_vreg.gather [hbm4b:s1+s5], $0x80, v5, vm0, $0xb8;
	[tilespmem:$0x1A000] =	vst v63  }
0x11b: {  	s21 =	simm.s32 $0xD000  }
0x11c: {  	[tilespmem:s21], [sflag:$0x1] =	stream.indirect_vreg.gather [hbm4b:s2+s5], $0x80, v5, vm0, $0xb8;
	[tilespmem:$0x1A000] =	vst v63  }
0x11d: {  	_ = 	snop  }
0x11e: {  	[tilespmem:s22], [sflag:$0x1] =	stream.indirect_vreg.gather [hbm4b:s0+s5], $0x80, v5, vm0, $0xb8;
	[tilespmem:$0x1A000] =	vst v63  }
0x11f: {  	_ =	swait.ge [sflag:s15], $0x6000  }
0x120: {  	[sflag:s15] =	ssyncset.done $0x0  }
0x121: {  	s21 =	sadd.s32 s19, s28;
	[sflag:s15] =	ssyncadd.s32 $0xFFFFA000  }
0x122: {  	[hbm4b:s21+s5] =	stream.linear.scatter [tilespmem:s23], [sflag:$0x5], $0x6000, $0x38;
	[tilespmem:$0x1A000] =	vst v63  }
0x123: {  	_ =	swait.ge [sflag:s10], $0x6000  }
0x124: {  	[sflag:s10] =	ssyncset.done $0x0  }
0x125: {  	p0 =	seq.s32 s19, $0x558000;
	[sflag:s10] =	ssyncadd.s32 $0xFFFFA000  }
0x126: {  	v5 =	vld @!p0 [tilespmem:s18+$0xFFFFFF70];
	_ =	sdelay $0x4  }
0x127: {  	v6 =	vshrl.u32 @!p0 v5, $0x3  }
0x128: {  	v6 =	vmul.u32 @!p0 $0x30, v6  }
0x129: {  	v7 =	vlaneseq.u32 @!p0;
	v5 =	vand.u32 @!p0 $0x7, v5  }
0x12a: {  	v8 =	vshrl.u32 @!p0 v7, $0x3;
	v5 =	vor.u32 @!p0 v5, v6;
	v6 =	vand.u32 @!p0 $0x7, v7  }
0x12b: {  	v8 =	vmul.u32 @!p0 $0x8, v8;
	v9 =	vperm.xlane @!p0 v5, v6;
	_ =	sdelay $0x1  }
0x12c: {  	v9 =	vadd.s32 @!p0 v8, v9  }
0x12d: {  	v10 =	vld @!p0 [tilespmem:s18+$0xFFFFFF80];
	_ =	sdelay $0x1  }
0x12e: {  	v7 =	vor.u32 @!p0 $0x8, v7  }
0x12f: {  	vm1 =	vmmov @!p0 $0xffff;
	s17 =	simm.s32 @!p0 $0x0;
	s21 =	simm.s32 @!p0 $0xE000;
	v5 =	vperm.xlane @!p0 v5, v7  }
0x130: {  	[tilespmem:s21], [sflag:$0x2] =	stream.indirect_vreg.gather @!p0 [hbm4b:s1+s17], $0x80, v9, vm1, $0xb8;
	[tilespmem:$0x1A000] =	vst v63  }
0x131: {  	v11 =	vshrl.u32 @!p0 v10, $0x3;
	v5 =	vadd.s32 @!p0 v8, v5;
	s21 =	simm.s32 @!p0 $0xE800  }
0x132: {  	v11 =	vmul.u32 @!p0 $0x30, v11;
	[tilespmem:s21], [sflag:$0x2] =	stream.indirect_vreg.gather @!p0 [hbm4b:s2+s17], $0x80, v9, vm1, $0xb8;
	[tilespmem:$0x1A000] =	vst v63  }
0x133: {  	v10 =	vand.u32 @!p0 $0x7, v10;
	s21 =	simm.s32 @!p0 $0xF000  }
0x134: {  	[tilespmem:s21], [sflag:$0x2] =	stream.indirect_vreg.gather @!p0 [hbm4b:s0+s17], $0x80, v9, vm1, $0xb8;
	v9 =	vor.u32 @!p0 v10, v11;
	[tilespmem:$0x1A000] =	vst v63  }
0x135: {  	s21 =	simm.s32 @!p0 $0xF800;
	v6 =	vperm.xlane @!p0 v9, v6  }
0x136: {  	[tilespmem:s21], [sflag:$0x2] =	stream.indirect_vreg.gather @!p0 [hbm4b:s1+s17], $0x80, v5, vm1, $0xb8;
	[tilespmem:$0x1A000] =	vst v63  }
0x137: {  	s21 =	simm.s32 @!p0 $0x10000;
	v6 =	vadd.s32 @!p0 v8, v6  }
0x138: {  	[tilespmem:s21], [sflag:$0x2] =	stream.indirect_vreg.gather @!p0 [hbm4b:s2+s17], $0x80, v5, vm1, $0xb8;
	[tilespmem:$0x1A000] =	vst v63  }
0x139: {  	s21 =	simm.s32 @!p0 $0x10800  }
0x13a: {  	[tilespmem:s21], [sflag:$0x2] =	stream.indirect_vreg.gather @!p0 [hbm4b:s0+s17], $0x80, v5, vm1, $0xb8;
	[tilespmem:$0x1A000] =	vst v63  }
0x13b: {  	s21 =	simm.s32 @!p0 $0x11000;
	v5 =	vperm.xlane @!p0 v9, v7  }
0x13c: {  	[tilespmem:s21], [sflag:$0x2] =	stream.indirect_vreg.gather @!p0 [hbm4b:s1+s17], $0x80, v6, vm1, $0xb8;
	[tilespmem:$0x1A000] =	vst v63  }
0x13d: {  	s21 =	simm.s32 @!p0 $0x11800;
	v5 =	vadd.s32 @!p0 v8, v5  }
0x13e: {  	[tilespmem:s21], [sflag:$0x2] =	stream.indirect_vreg.gather @!p0 [hbm4b:s2+s17], $0x80, v6, vm1, $0xb8;
	[tilespmem:$0x1A000] =	vst v63  }
0x13f: {  	s21 =	simm.s32 @!p0 $0x12000  }
0x140: {  	[tilespmem:s21], [sflag:$0x2] =	stream.indirect_vreg.gather @!p0 [hbm4b:s0+s17], $0x80, v6, vm1, $0xb8;
	[tilespmem:$0x1A000] =	vst v63  }
0x141: {  	s21 =	simm.s32 @!p0 $0x12800  }
0x142: {  	[tilespmem:s21], [sflag:$0x2] =	stream.indirect_vreg.gather @!p0 [hbm4b:s1+s17], $0x80, v5, vm1, $0xb8;
	[tilespmem:$0x1A000] =	vst v63  }
0x143: {  	s21 =	simm.s32 @!p0 $0x13000  }
0x144: {  	[tilespmem:s21], [sflag:$0x2] =	stream.indirect_vreg.gather @!p0 [hbm4b:s2+s17], $0x80, v5, vm1, $0xb8;
	[tilespmem:$0x1A000] =	vst v63  }
0x145: {  	s21 =	simm.s32 @!p0 $0x13800  }
0x146: {  	[tilespmem:s21], [sflag:$0x2] =	stream.indirect_vreg.gather @!p0 [hbm4b:s0+s17], $0x80, v5, vm1, $0xb8;
	[tilespmem:$0x1A000] =	vst v63  }
0x147: {  	_ =	swait.ge [sflag:s16], $0x6000  }
0x148: {  	[sflag:s16] =	ssyncset.done $0x0  }
.Ltmp2:
0x149: {  	s21 =	sadd.s32 s19, s30;
	[sflag:s16] =	ssyncadd.s32 $0xFFFFA000;
	(pc) =	sbr.rel @p0 .LBB2_4-.Ltmp2, $4  }
0x14a: {  	[hbm4b:s21+s5] =	stream.linear.scatter [tilespmem:s25], [sflag:$0x5], $0x6000, $0x38;
	[tilespmem:$0x1A000] =	vst v63  }
0x14b: {  	_ =	swait.ge [sflag:s10], $0x6000  }
0x14c: {  	[sflag:s10] =	ssyncset.done $0x0  }
0x14d: {  	[sflag:s10] =	ssyncadd.s32 $0xFFFFA000  }
0x14e: {  	v5 =	vld [tilespmem:s18+$0xFFFFFFF0];
	_ =	sdelay $0x4  }
0x14f: {  	v6 =	vshrl.u32 v5, $0x3  }
0x150: {  	v6 =	vmul.u32 $0x30, v6  }
0x151: {  	v5 =	vand.u32 $0x7, v5  }
0x152: {  	v5 =	vor.u32 v5, v6  }
0x153: {  	v6 =	vperm.xlane v5, v0;
	_ =	sdelay $0x1  }
0x154: {  	v6 =	vadd.s32 v2, v6  }
0x155: {  	v7 =	vld [tilespmem:s18+$0x0];
	_ =	sdelay $0x2  }
0x156: {  	v5 =	vperm.xlane v5, v1  }
0x157: {  	[tilespmem:s25], [sflag:$0x3] =	stream.indirect_vreg.gather [hbm4b:s1+s5], $0x80, v6, vm0, $0xb8;
	[tilespmem:$0x1A000] =	vst v63  }
0x158: {  	v8 =	vshrl.u32 v7, $0x3;
	v5 =	vadd.s32 v2, v5  }
0x159: {  	v8 =	vmul.u32 $0x30, v8;
	[tilespmem:s26], [sflag:$0x3] =	stream.indirect_vreg.gather [hbm4b:s2+s5], $0x80, v6, vm0, $0xb8;
	[tilespmem:$0x1A000] =	vst v63  }
0x15a: {  	v7 =	vand.u32 $0x7, v7  }
0x15b: {  	[tilespmem:s31], [sflag:$0x3] =	stream.indirect_vreg.gather [hbm4b:s0+s5], $0x80, v6, vm0, $0xb8;
	v6 =	vor.u32 v7, v8;
	[tilespmem:$0x1A000] =	vst v63  }
0x15c: {  	v7 =	vperm.xlane v6, v0  }
0x15d: {  	[tilespmem:s29], [sflag:$0x3] =	stream.indirect_vreg.gather [hbm4b:s1+s5], $0x80, v5, vm0, $0xb8;
	[tilespmem:$0x1A000] =	vst v63  }
0x15e: {  	v7 =	vadd.s32 v2, v7  }
0x15f: {  	[tilespmem:s3], [sflag:$0x3] =	stream.indirect_vreg.gather [hbm4b:s2+s5], $0x80, v5, vm0, $0xb8;
	[tilespmem:$0x1A000] =	vst v63  }
0x160: {  	_ = 	snop  }
0x161: {  	[tilespmem:s7], [sflag:$0x3] =	stream.indirect_vreg.gather [hbm4b:s0+s5], $0x80, v5, vm0, $0xb8;
	[tilespmem:$0x1A000] =	vst v63  }
0x162: {  	v5 =	vperm.xlane v6, v1  }
0x163: {  	[tilespmem:s8], [sflag:$0x3] =	stream.indirect_vreg.gather [hbm4b:s1+s5], $0x80, v7, vm0, $0xb8;
	[tilespmem:$0x1A000] =	vst v63  }
0x164: {  	v5 =	vadd.s32 v2, v5  }
0x165: {  	[tilespmem:s6], [sflag:$0x3] =	stream.indirect_vreg.gather [hbm4b:s2+s5], $0x80, v7, vm0, $0xb8;
	[tilespmem:$0x1A000] =	vst v63  }
0x166: {  	_ = 	snop  }
0x167: {  	[tilespmem:s9], [sflag:$0x3] =	stream.indirect_vreg.gather [hbm4b:s0+s5], $0x80, v7, vm0, $0xb8;
	[tilespmem:$0x1A000] =	vst v63  }
0x168: {  	_ = 	snop  }
0x169: {  	[tilespmem:s4], [sflag:$0x3] =	stream.indirect_vreg.gather [hbm4b:s1+s5], $0x80, v5, vm0, $0xb8;
	[tilespmem:$0x1A000] =	vst v63  }
.Ltmp3:
0x16a: {  	_ = 	snop;
	(pc) =	sbr.rel .LBB2_2-.Ltmp3, $4  }
0x16b: {  	_ = 	snop  }
0x16c: {  	[tilespmem:s12], [sflag:$0x3] =	stream.indirect_vreg.gather [hbm4b:s2+s5], $0x80, v5, vm0, $0xb8;
	[tilespmem:$0x1A000] =	vst v63  }
0x16d: {  	s19 =	sadd.s32 $0x48000, s19;
	s20 =	sadd.s32 $0x240000, s20;
	s18 =	sadd.s32 $0x180, s18  }
0x16e: {  	[tilespmem:s13], [sflag:$0x3] =	stream.indirect_vreg.gather [hbm4b:s0+s5], $0x80, v5, vm0, $0xb8;
	[tilespmem:$0x1A000] =	vst v63  }
.LBB2_5:
0x16f: {  	_ =	sfence.sel $0x180000  }
0x170: {  	[bflag:$0x0] =	sbarrier.arrive $0xFFFF  }
0x171: {  	_ =	strace $0x90000047  }
0x172: {  	s0 =	stileid.u32;
	[bflag:$0x2] =	sbarrier.arrive $0xFFFF  }
0x173: {  	p0 =	sne.s32 s0, $0x0;
	s0 =	rddreg [dreg:$0x4]  }
0x174: {  	s0 =	sadd.s32 @!p0 $0x100000, s0  }
0x175: {  	[sflag:s0] =	ssyncadd.tile.s32 @!p0 $0x1;
	_ =	shalt  }
.Lfunc_end2:
_tile_overlayer_lowered:
.L_overlay_start_2:
0x176: {  	(tag) =	ssettag $0x2  }
0x177: {  	s0 =	rddreg [dreg:$0x0];
	s2 =	stileid.u32  }
0x178: {  	s1 =	rddreg [dreg:$0x1];
	p0 =	sne.s32 s2, $0x0  }
0x179: {  	s3 =	rddreg [dreg:$0x2];
	[bflag:$0x3] =	sbarrier.arrive $0xFFFF;
	s2 =	simm.s32 @!p0 $0x1C05  }
0x17a: {  	[timem:s3], [sflag:s2] =	dma.local @!p0 [hbm:s0], s1  }
0x17b: {  	s0 =	simm.s32 @!p0 $0x5  }
0x17c: {  	_ =	swait.ge @!p0 [sflag:s0], s1  }
0x17d: {  	s1 =	ssub.s32 @!p0 $0x0, s1;
	[sflag:s0] =	ssyncset.done @!p0 $0x0  }
0x17e: {  	[sflag:s0] =	ssyncadd.s32 @!p0 s1  }
0x17f: {  	[bflag:$0x3] =	sbarrier.arrive $0xFFFF  }
0x180: {  	_ =	shalt  }

</sc_bundles>
